<compile_context>
chip_gen: v7x
topology: tpu7x:2x2x1
jax: 0.10.2.dev20260603
libtpu: 0.0.44.dev20260713+nightly
codegen_flags: <defaults>
</compile_context>

<pallas_src>
import functools

import jax
import jax.numpy as jnp
from jax import lax
from jax.experimental import pallas as pl
from jax.experimental.pallas import tpu as pltpu
from jax.experimental.pallas import tpu_sc as plsc

VOCAB = 1000000
HIDDEN = 64
BATCH = 16384
HIST = 50

B = BATCH * HIST
NC, NS = 2, 16
NW = NC * NS
BPW = B // NW
CHUNK = 128
NCHUNK = BPW // CHUNK
NBUF = 4

_mesh = plsc.VectorSubcoreMesh(core_axis_name="c", subcore_axis_name="s")


@functools.partial(
    pl.kernel,
    mesh=_mesh,
    out_type=jax.ShapeDtypeStruct((B, HIDDEN), jnp.float32),
    scratch_types=[
        pltpu.VMEM((BPW,), jnp.int32),
        [pltpu.VMEM((CHUNK, HIDDEN), jnp.float32) for _ in range(NBUF)],
        [pltpu.SemaphoreType.DMA for _ in range(NBUF)],
        [pltpu.SemaphoreType.DMA for _ in range(NBUF)],
    ],
    compiler_params=pltpu.CompilerParams(use_tc_tiling_on_sc=False),
)
def _gather_kernel(idx_hbm, table_hbm, out_hbm, idx_v, rows, sem_in, sem_out):
    wid = lax.axis_index("s") * NC + lax.axis_index("c")
    base = wid * BPW

    def fire(g, j):
        pltpu.async_copy(
            table_hbm.at[idx_v.at[pl.ds(g * CHUNK, CHUNK)]], rows[j], sem_in[j]
        )

    def wait_gather(j):
        pltpu.make_async_copy(
            table_hbm.at[idx_v.at[pl.ds(0, CHUNK)]], rows[j], sem_in[j]
        ).wait()

    def start_writeback(g, j):
        pltpu.async_copy(
            rows[j], out_hbm.at[pl.ds(base + g * CHUNK, CHUNK)], sem_out[j]
        )

    def wait_writeback(j):
        pltpu.make_async_copy(
            rows[j], out_hbm.at[pl.ds(base, CHUNK)], sem_out[j]
        ).wait()

    pltpu.sync_copy(idx_hbm.at[pl.ds(base, BPW)], idx_v)

    fire(0, 0)
    fire(1, 1)

    for j in range(NBUF):
        wait_gather(j)
        start_writeback(j, j)
        if j + 2 < NBUF:
            fire(j + 2, j + 2)
        else:
            wait_writeback((j + 2) % NBUF)
            fire(j + 2, (j + 2) % NBUF)

    def body(go, carry):
        for j in range(NBUF):
            g = go * NBUF + j
            wait_gather(j)
            start_writeback(g, j)
            wait_writeback((j + 2) % NBUF)
            fire(g + 2, (j + 2) % NBUF)
        return carry

    lax.fori_loop(1, NCHUNK // NBUF - 1, body, 0)

    for j in range(NBUF):
        g = NCHUNK - NBUF + j
        wait_gather(j)
        start_writeback(g, j)
        if j < 2:
            wait_writeback((j + 2) % NBUF)
            fire(g + 2, (j + 2) % NBUF)

    for j in range(NBUF):
        wait_writeback(j)


def kernel(input, weight):
    idx = input.T.reshape(-1)
    out = _gather_kernel(idx, weight)
    return out.reshape(HIST, BATCH, HIDDEN).transpose(1, 0, 2)

# --- scband reference (transcript-rebuilt; emitter-appended) ---
"""Pipeline reference for scband-vocab-parallel-embedding-9500467658787 (READ-ONLY COPY).

The authoritative reference and input builder live on the scoring server;
editing this copy changes nothing except your own understanding.
"""

import jax, jax.numpy as jnp
import numpy as np

VOCAB = 1000000
HIDDEN = 64
BATCH = 16384
HIST = 50

def setup_inputs(seed: int = 0) -> dict:
    key = jax.random.key(seed)
    k_idx, k_w = jax.random.split(key)
    input_ids = jax.random.randint(k_idx, (BATCH, HIST), 0, VOCAB, dtype=jnp.int64 if jax.config.jax_enable_x64 else jnp.int32)
    # nn.Embedding default init: N(0, 1)
    weight = jax.random.normal(k_w, (VOCAB, HIDDEN), dtype=jnp.float32)
    return {"input": input_ids, "weight": weight}

def reference(input, weight):
    # process_group is None -> plain embedding lookup (gather rows of the table)
    return jnp.take(weight, input, axis=0)

if __name__ == "__main__":
    import jax
    _d = setup_inputs()
    print(jax.jit(kernel)(*tuple(_d.values())))

</pallas_src>

<mosaic_0001>
#map = affine_map<(d0, d1) -> (0)>
#map1 = affine_map<(d0, d1) -> (0, 0)>
module attributes {stable_mosaic.version = 14 : i64} {
  func.func @_gather_kernel(%arg0: i32, %arg1: i32, %arg2: memref<819200xi32, #tpu.memory_space<hbm>>, %arg3: memref<1000000x64xf32, #tpu.memory_space<hbm>>, %arg4: memref<819200x64xf32, #tpu.memory_space<hbm>>, %arg5: memref<25600xi32, #tpu.memory_space<vmem>>, %arg6: memref<128x64xf32, #tpu.memory_space<vmem>>, %arg7: memref<128x64xf32, #tpu.memory_space<vmem>>, %arg8: memref<128x64xf32, #tpu.memory_space<vmem>>, %arg9: memref<128x64xf32, #tpu.memory_space<vmem>>, %arg10: memref<!tpu.dma_semaphore, #tpu.memory_space<semaphore_mem>>, %arg11: memref<!tpu.dma_semaphore, #tpu.memory_space<semaphore_mem>>, %arg12: memref<!tpu.dma_semaphore, #tpu.memory_space<semaphore_mem>>, %arg13: memref<!tpu.dma_semaphore, #tpu.memory_space<semaphore_mem>>, %arg14: memref<!tpu.dma_semaphore, #tpu.memory_space<semaphore_mem>>, %arg15: memref<!tpu.dma_semaphore, #tpu.memory_space<semaphore_mem>>, %arg16: memref<!tpu.dma_semaphore, #tpu.memory_space<semaphore_mem>>, %arg17: memref<!tpu.dma_semaphore, #tpu.memory_space<semaphore_mem>>) attributes {dimension_semantics = [#tpu.dimension_semantics<core_parallel>, #tpu.dimension_semantics<subcore_parallel>], iteration_bounds = array<i64: 2, 16>, scalar_prefetch = 0 : i64, scratch_operands = 13 : i64, tpu.core_type = #tpu.core_type<sc_vector_subcore>, window_params = [{transform_indices = #map}, {transform_indices = #map1}, {transform_indices = #map1}]} {
    %mul3A = arith.constant 2 : i32
    %mul3A_0 = arith.muli %arg1, %mul3A : i32
    %add3A = arith.addi %mul3A_0, %arg0 : i32
    %mul3A_1 = arith.constant 25600 : i32
    %mul3A_2 = arith.muli %add3A, %mul3A_1 : i32
    "tpu.region"() ({
      %run_scoped3A = tpu.sem_alloc : memref<!tpu.dma_semaphore, #tpu.memory_space<semaphore_mem>>
      %dma_start3A_166 = tpu.memref_slice %arg2[%mul3A_2] : memref<819200xi32, #tpu.memory_space<hbm>> -> memref<25600xi32, #tpu.memory_space<hbm>>
      %dma_start3A_167 = tpu.memref_slice %arg2[%mul3A_2] : memref<819200xi32, #tpu.memory_space<hbm>> -> memref<25600xi32, #tpu.memory_space<hbm>>
      tpu.enqueue_dma source(%dma_start3A_167 : memref<25600xi32, #tpu.memory_space<hbm>>) target(%arg5 : memref<25600xi32, #tpu.memory_space<vmem>>) target_semaphore(%run_scoped3A : memref<!tpu.dma_semaphore, #tpu.memory_space<semaphore_mem>>)
      %dma_wait3A_168 = tpu.memref_slice %arg2[%mul3A_2] : memref<819200xi32, #tpu.memory_space<hbm>> -> memref<25600xi32, #tpu.memory_space<hbm>>
      %dma_wait3A_169 = tpu.memref_slice %arg2[%mul3A_2] : memref<819200xi32, #tpu.memory_space<hbm>> -> memref<25600xi32, #tpu.memory_space<hbm>>
      tpu.wait_dma2 semaphore(%run_scoped3A : memref<!tpu.dma_semaphore, #tpu.memory_space<semaphore_mem>>) src(%dma_wait3A_169 : memref<25600xi32, #tpu.memory_space<hbm>>) dst(%arg5 : memref<25600xi32, #tpu.memory_space<vmem>>)
      tpu.yield
    }) : () -> ()
    %dma_start3A = arith.constant 0 : i32
    %dma_start3A_3 = tpu.memref_slice %arg5[%dma_start3A] : memref<25600xi32, #tpu.memory_space<vmem>> -> memref<128xi32, #tpu.memory_space<vmem>>
    %dma_start3A_4 = arith.constant 0 : i32
    %dma_start3A_5 = arith.constant 0 : i32
    %dma_start3A_6 = tpu.memref_slice %arg3[%dma_start3A_4, %dma_start3A_5] : memref<1000000x64xf32, #tpu.memory_space<hbm>> -> memref<1000000x64xf32, #tpu.memory_space<hbm>>
    tpu.enqueue_indirect_dma source(%dma_start3A_6 : memref<1000000x64xf32, #tpu.memory_space<hbm>>) target(%arg6 : memref<128x64xf32, #tpu.memory_space<vmem>>) offsets(%dma_start3A_3 : memref<128xi32, #tpu.memory_space<vmem>>) semaphore(%arg10 : memref<!tpu.dma_semaphore, #tpu.memory_space<semaphore_mem>>)
    %dma_start3A_7 = arith.constant 128 : i32
    %dma_start3A_8 = tpu.memref_slice %arg5[%dma_start3A_7] : memref<25600xi32, #tpu.memory_space<vmem>> -> memref<128xi32, #tpu.memory_space<vmem>>
    %dma_start3A_9 = arith.constant 0 : i32
    %dma_start3A_10 = arith.constant 0 : i32
    %dma_start3A_11 = tpu.memref_slice %arg3[%dma_start3A_9, %dma_start3A_10] : memref<1000000x64xf32, #tpu.memory_space<hbm>> -> memref<1000000x64xf32, #tpu.memory_space<hbm>>
    tpu.enqueue_indirect_dma source(%dma_start3A_11 : memref<1000000x64xf32, #tpu.memory_space<hbm>>) target(%arg7 : memref<128x64xf32, #tpu.memory_space<vmem>>) offsets(%dma_start3A_8 : memref<128xi32, #tpu.memory_space<vmem>>) semaphore(%arg11 : memref<!tpu.dma_semaphore, #tpu.memory_space<semaphore_mem>>)
    %dma_wait3A = arith.constant 0 : i32
    %dma_wait3A_12 = tpu.memref_slice %arg5[%dma_wait3A] : memref<25600xi32, #tpu.memory_space<vmem>> -> memref<128xi32, #tpu.memory_space<vmem>>
    %dma_wait3A_13 = arith.constant 0 : i32
    %dma_wait3A_14 = arith.constant 0 : i32
    %dma_wait3A_15 = tpu.memref_slice %arg3[%dma_wait3A_13, %dma_wait3A_14] : memref<1000000x64xf32, #tpu.memory_space<hbm>> -> memref<1000000x64xf32, #tpu.memory_space<hbm>>
    tpu.wait_indirect_dma semaphore(%arg10 : memref<!tpu.dma_semaphore, #tpu.memory_space<semaphore_mem>>) src(%dma_wait3A_15 : memref<1000000x64xf32, #tpu.memory_space<hbm>>) dst(%arg6 : memref<128x64xf32, #tpu.memory_space<vmem>>)
    %add3A_16 = arith.constant 0 : i32
    %add3A_17 = arith.addi %mul3A_2, %add3A_16 : i32
    %dma_start3A_18 = arith.constant 0 : i32
    %dma_start3A_19 = tpu.memref_slice %arg4[%add3A_17, %dma_start3A_18] : memref<819200x64xf32, #tpu.memory_space<hbm>> -> memref<128x64xf32, #tpu.memory_space<hbm>>
    %dma_start3A_20 = arith.constant 0 : i32
    %dma_start3A_21 = tpu.memref_slice %arg4[%add3A_17, %dma_start3A_20] : memref<819200x64xf32, #tpu.memory_space<hbm>> -> memref<128x64xf32, #tpu.memory_space<hbm>>
    tpu.enqueue_dma source(%arg6 : memref<128x64xf32, #tpu.memory_space<vmem>>) target(%dma_start3A_21 : memref<128x64xf32, #tpu.memory_space<hbm>>) target_semaphore(%arg14 : memref<!tpu.dma_semaphore, #tpu.memory_space<semaphore_mem>>)
    %dma_start3A_22 = arith.constant 256 : i32
    %dma_start3A_23 = tpu.memref_slice %arg5[%dma_start3A_22] : memref<25600xi32, #tpu.memory_space<vmem>> -> memref<128xi32, #tpu.memory_space<vmem>>
    %dma_start3A_24 = arith.constant 0 : i32
    %dma_start3A_25 = arith.constant 0 : i32
    %dma_start3A_26 = tpu.memref_slice %arg3[%dma_start3A_24, %dma_start3A_25] : memref<1000000x64xf32, #tpu.memory_space<hbm>> -> memref<1000000x64xf32, #tpu.memory_space<hbm>>
    tpu.enqueue_indirect_dma source(%dma_start3A_26 : memref<1000000x64xf32, #tpu.memory_space<hbm>>) target(%arg8 : memref<128x64xf32, #tpu.memory_space<vmem>>) offsets(%dma_start3A_23 : memref<128xi32, #tpu.memory_space<vmem>>) semaphore(%arg12 : memref<!tpu.dma_semaphore, #tpu.memory_space<semaphore_mem>>)
    %dma_wait3A_27 = arith.constant 0 : i32
    %dma_wait3A_28 = tpu.memref_slice %arg5[%dma_wait3A_27] : memref<25600xi32, #tpu.memory_space<vmem>> -> memref<128xi32, #tpu.memory_space<vmem>>
    %dma_wait3A_29 = arith.constant 0 : i32
    %dma_wait3A_30 = arith.constant 0 : i32
    %dma_wait3A_31 = tpu.memref_slice %arg3[%dma_wait3A_29, %dma_wait3A_30] : memref<1000000x64xf32, #tpu.memory_space<hbm>> -> memref<1000000x64xf32, #tpu.memory_space<hbm>>
    tpu.wait_indirect_dma semaphore(%arg11 : memref<!tpu.dma_semaphore, #tpu.memory_space<semaphore_mem>>) src(%dma_wait3A_31 : memref<1000000x64xf32, #tpu.memory_space<hbm>>) dst(%arg7 : memref<128x64xf32, #tpu.memory_space<vmem>>)
    %add3A_32 = arith.constant 128 : i32
    %add3A_33 = arith.addi %mul3A_2, %add3A_32 : i32
    %dma_start3A_34 = arith.constant 0 : i32
    %dma_start3A_35 = tpu.memref_slice %arg4[%add3A_33, %dma_start3A_34] : memref<819200x64xf32, #tpu.memory_space<hbm>> -> memref<128x64xf32, #tpu.memory_space<hbm>>
    %dma_start3A_36 = arith.constant 0 : i32
    %dma_start3A_37 = tpu.memref_slice %arg4[%add3A_33, %dma_start3A_36] : memref<819200x64xf32, #tpu.memory_space<hbm>> -> memref<128x64xf32, #tpu.memory_space<hbm>>
    tpu.enqueue_dma source(%arg7 : memref<128x64xf32, #tpu.memory_space<vmem>>) target(%dma_start3A_37 : memref<128x64xf32, #tpu.memory_space<hbm>>) target_semaphore(%arg15 : memref<!tpu.dma_semaphore, #tpu.memory_space<semaphore_mem>>)
    %dma_start3A_38 = arith.constant 384 : i32
    %dma_start3A_39 = tpu.memref_slice %arg5[%dma_start3A_38] : memref<25600xi32, #tpu.memory_space<vmem>> -> memref<128xi32, #tpu.memory_space<vmem>>
    %dma_start3A_40 = arith.constant 0 : i32
    %dma_start3A_41 = arith.constant 0 : i32
    %dma_start3A_42 = tpu.memref_slice %arg3[%dma_start3A_40, %dma_start3A_41] : memref<1000000x64xf32, #tpu.memory_space<hbm>> -> memref<1000000x64xf32, #tpu.memory_space<hbm>>
    tpu.enqueue_indirect_dma source(%dma_start3A_42 : memref<1000000x64xf32, #tpu.memory_space<hbm>>) target(%arg9 : memref<128x64xf32, #tpu.memory_space<vmem>>) offsets(%dma_start3A_39 : memref<128xi32, #tpu.memory_space<vmem>>) semaphore(%arg13 : memref<!tpu.dma_semaphore, #tpu.memory_space<semaphore_mem>>)
    %dma_wait3A_43 = arith.constant 0 : i32
    %dma_wait3A_44 = tpu.memref_slice %arg5[%dma_wait3A_43] : memref<25600xi32, #tpu.memory_space<vmem>> -> memref<128xi32, #tpu.memory_space<vmem>>
    %dma_wait3A_45 = arith.constant 0 : i32
    %dma_wait3A_46 = arith.constant 0 : i32
    %dma_wait3A_47 = tpu.memref_slice %arg3[%dma_wait3A_45, %dma_wait3A_46] : memref<1000000x64xf32, #tpu.memory_space<hbm>> -> memref<1000000x64xf32, #tpu.memory_space<hbm>>
    tpu.wait_indirect_dma semaphore(%arg12 : memref<!tpu.dma_semaphore, #tpu.memory_space<semaphore_mem>>) src(%dma_wait3A_47 : memref<1000000x64xf32, #tpu.memory_space<hbm>>) dst(%arg8 : memref<128x64xf32, #tpu.memory_space<vmem>>)
    %add3A_48 = arith.constant 256 : i32
    %add3A_49 = arith.addi %mul3A_2, %add3A_48 : i32
    %dma_start3A_50 = arith.constant 0 : i32
    %dma_start3A_51 = tpu.memref_slice %arg4[%add3A_49, %dma_start3A_50] : memref<819200x64xf32, #tpu.memory_space<hbm>> -> memref<128x64xf32, #tpu.memory_space<hbm>>
    %dma_start3A_52 = arith.constant 0 : i32
    %dma_start3A_53 = tpu.memref_slice %arg4[%add3A_49, %dma_start3A_52] : memref<819200x64xf32, #tpu.memory_space<hbm>> -> memref<128x64xf32, #tpu.memory_space<hbm>>
    tpu.enqueue_dma source(%arg8 : memref<128x64xf32, #tpu.memory_space<vmem>>) target(%dma_start3A_53 : memref<128x64xf32, #tpu.memory_space<hbm>>) target_semaphore(%arg16 : memref<!tpu.dma_semaphore, #tpu.memory_space<semaphore_mem>>)
    %dma_wait3A_54 = arith.constant 0 : i32
    %dma_wait3A_55 = tpu.memref_slice %arg4[%mul3A_2, %dma_wait3A_54] : memref<819200x64xf32, #tpu.memory_space<hbm>> -> memref<128x64xf32, #tpu.memory_space<hbm>>
    %dma_wait3A_56 = arith.constant 0 : i32
    %dma_wait3A_57 = tpu.memref_slice %arg4[%mul3A_2, %dma_wait3A_56] : memref<819200x64xf32, #tpu.memory_space<hbm>> -> memref<128x64xf32, #tpu.memory_space<hbm>>
    tpu.wait_dma2 semaphore(%arg14 : memref<!tpu.dma_semaphore, #tpu.memory_space<semaphore_mem>>) src(%arg6 : memref<128x64xf32, #tpu.memory_space<vmem>>) dst(%dma_wait3A_57 : memref<128x64xf32, #tpu.memory_space<hbm>>)
    %dma_start3A_58 = arith.constant 512 : i32
    %dma_start3A_59 = tpu.memref_slice %arg5[%dma_start3A_58] : memref<25600xi32, #tpu.memory_space<vmem>> -> memref<128xi32, #tpu.memory_space<vmem>>
    %dma_start3A_60 = arith.constant 0 : i32
    %dma_start3A_61 = arith.constant 0 : i32
    %dma_start3A_62 = tpu.memref_slice %arg3[%dma_start3A_60, %dma_start3A_61] : memref<1000000x64xf32, #tpu.memory_space<hbm>> -> memref<1000000x64xf32, #tpu.memory_space<hbm>>
    tpu.enqueue_indirect_dma source(%dma_start3A_62 : memref<1000000x64xf32, #tpu.memory_space<hbm>>) target(%arg6 : memref<128x64xf32, #tpu.memory_space<vmem>>) offsets(%dma_start3A_59 : memref<128xi32, #tpu.memory_space<vmem>>) semaphore(%arg10 : memref<!tpu.dma_semaphore, #tpu.memory_space<semaphore_mem>>)
    %dma_wait3A_63 = arith.constant 0 : i32
    %dma_wait3A_64 = tpu.memref_slice %arg5[%dma_wait3A_63] : memref<25600xi32, #tpu.memory_space<vmem>> -> memref<128xi32, #tpu.memory_space<vmem>>
    %dma_wait3A_65 = arith.constant 0 : i32
    %dma_wait3A_66 = arith.constant 0 : i32
    %dma_wait3A_67 = tpu.memref_slice %arg3[%dma_wait3A_65, %dma_wait3A_66] : memref<1000000x64xf32, #tpu.memory_space<hbm>> -> memref<1000000x64xf32, #tpu.memory_space<hbm>>
    tpu.wait_indirect_dma semaphore(%arg13 : memref<!tpu.dma_semaphore, #tpu.memory_space<semaphore_mem>>) src(%dma_wait3A_67 : memref<1000000x64xf32, #tpu.memory_space<hbm>>) dst(%arg9 : memref<128x64xf32, #tpu.memory_space<vmem>>)
    %add3A_68 = arith.constant 384 : i32
    %add3A_69 = arith.addi %mul3A_2, %add3A_68 : i32
    %dma_start3A_70 = arith.constant 0 : i32
    %dma_start3A_71 = tpu.memref_slice %arg4[%add3A_69, %dma_start3A_70] : memref<819200x64xf32, #tpu.memory_space<hbm>> -> memref<128x64xf32, #tpu.memory_space<hbm>>
    %dma_start3A_72 = arith.constant 0 : i32
    %dma_start3A_73 = tpu.memref_slice %arg4[%add3A_69, %dma_start3A_72] : memref<819200x64xf32, #tpu.memory_space<hbm>> -> memref<128x64xf32, #tpu.memory_space<hbm>>
    tpu.enqueue_dma source(%arg9 : memref<128x64xf32, #tpu.memory_space<vmem>>) target(%dma_start3A_73 : memref<128x64xf32, #tpu.memory_space<hbm>>) target_semaphore(%arg17 : memref<!tpu.dma_semaphore, #tpu.memory_space<semaphore_mem>>)
    %dma_wait3A_74 = arith.constant 0 : i32
    %dma_wait3A_75 = tpu.memref_slice %arg4[%mul3A_2, %dma_wait3A_74] : memref<819200x64xf32, #tpu.memory_space<hbm>> -> memref<128x64xf32, #tpu.memory_space<hbm>>
    %dma_wait3A_76 = arith.constant 0 : i32
    %dma_wait3A_77 = tpu.memref_slice %arg4[%mul3A_2, %dma_wait3A_76] : memref<819200x64xf32, #tpu.memory_space<hbm>> -> memref<128x64xf32, #tpu.memory_space<hbm>>
    tpu.wait_dma2 semaphore(%arg15 : memref<!tpu.dma_semaphore, #tpu.memory_space<semaphore_mem>>) src(%arg7 : memref<128x64xf32, #tpu.memory_space<vmem>>) dst(%dma_wait3A_77 : memref<128x64xf32, #tpu.memory_space<hbm>>)
    %dma_start3A_78 = arith.constant 640 : i32
    %dma_start3A_79 = tpu.memref_slice %arg5[%dma_start3A_78] : memref<25600xi32, #tpu.memory_space<vmem>> -> memref<128xi32, #tpu.memory_space<vmem>>
    %dma_start3A_80 = arith.constant 0 : i32
    %dma_start3A_81 = arith.constant 0 : i32
    %dma_start3A_82 = tpu.memref_slice %arg3[%dma_start3A_80, %dma_start3A_81] : memref<1000000x64xf32, #tpu.memory_space<hbm>> -> memref<1000000x64xf32, #tpu.memory_space<hbm>>
    tpu.enqueue_indirect_dma source(%dma_start3A_82 : memref<1000000x64xf32, #tpu.memory_space<hbm>>) target(%arg7 : memref<128x64xf32, #tpu.memory_space<vmem>>) offsets(%dma_start3A_79 : memref<128xi32, #tpu.memory_space<vmem>>) semaphore(%arg11 : memref<!tpu.dma_semaphore, #tpu.memory_space<semaphore_mem>>)
    %scan3A = arith.constant 0 : i32
    %scan3A_83 = arith.constant 1 : i32
    %scan3A_84 = arith.constant 48 : i32
    %scan3A_85 = arith.addi %scan3A_83, %scan3A_84 : i32
    %scan3A_86 = arith.constant 1 : i32
    scf.for %scan3A_166 = %scan3A_83 to %scan3A_85 step %scan3A_86  : i32 {
      %mul3A_167 = arith.constant 4 : i32
      %mul3A_168 = arith.muli %scan3A_166, %mul3A_167 : i32
      %add3A_169 = arith.constant 0 : i32
      %add3A_170 = arith.addi %mul3A_168, %add3A_169 : i32
      %dma_wait3A_171 = arith.constant 0 : i32
      %dma_wait3A_172 = tpu.memref_slice %arg5[%dma_wait3A_171] : memref<25600xi32, #tpu.memory_space<vmem>> -> memref<128xi32, #tpu.memory_space<vmem>>
      %dma_wait3A_173 = arith.constant 0 : i32
      %dma_wait3A_174 = arith.constant 0 : i32
      %dma_wait3A_175 = tpu.memref_slice %arg3[%dma_wait3A_173, %dma_wait3A_174] : memref<1000000x64xf32, #tpu.memory_space<hbm>> -> memref<1000000x64xf32, #tpu.memory_space<hbm>>
      tpu.wait_indirect_dma semaphore(%arg10 : memref<!tpu.dma_semaphore, #tpu.memory_space<semaphore_mem>>) src(%dma_wait3A_175 : memref<1000000x64xf32, #tpu.memory_space<hbm>>) dst(%arg6 : memref<128x64xf32, #tpu.memory_space<vmem>>)
      %mul3A_176 = arith.constant 128 : i32
      %mul3A_177 = arith.muli %add3A_170, %mul3A_176 : i32
      %add3A_178 = arith.addi %mul3A_2, %mul3A_177 : i32
      %dma_start3A_179 = arith.constant 0 : i32
      %dma_start3A_180 = tpu.memref_slice %arg4[%add3A_178, %dma_start3A_179] : memref<819200x64xf32, #tpu.memory_space<hbm>> -> memref<128x64xf32, #tpu.memory_space<hbm>>
      %dma_start3A_181 = arith.constant 0 : i32
      %dma_start3A_182 = tpu.memref_slice %arg4[%add3A_178, %dma_start3A_181] : memref<819200x64xf32, #tpu.memory_space<hbm>> -> memref<128x64xf32, #tpu.memory_space<hbm>>
      tpu.enqueue_dma source(%arg6 : memref<128x64xf32, #tpu.memory_space<vmem>>) target(%dma_start3A_182 : memref<128x64xf32, #tpu.memory_space<hbm>>) target_semaphore(%arg14 : memref<!tpu.dma_semaphore, #tpu.memory_space<semaphore_mem>>)
      %dma_wait3A_183 = arith.constant 0 : i32
      %dma_wait3A_184 = tpu.memref_slice %arg4[%mul3A_2, %dma_wait3A_183] : memref<819200x64xf32, #tpu.memory_space<hbm>> -> memref<128x64xf32, #tpu.memory_space<hbm>>
      %dma_wait3A_185 = arith.constant 0 : i32
      %dma_wait3A_186 = tpu.memref_slice %arg4[%mul3A_2, %dma_wait3A_185] : memref<819200x64xf32, #tpu.memory_space<hbm>> -> memref<128x64xf32, #tpu.memory_space<hbm>>
      tpu.wait_dma2 semaphore(%arg16 : memref<!tpu.dma_semaphore, #tpu.memory_space<semaphore_mem>>) src(%arg8 : memref<128x64xf32, #tpu.memory_space<vmem>>) dst(%dma_wait3A_186 : memref<128x64xf32, #tpu.memory_space<hbm>>)
      %add3A_187 = arith.constant 2 : i32
      %add3A_188 = arith.addi %add3A_170, %add3A_187 : i32
      %mul3A_189 = arith.constant 128 : i32
      %mul3A_190 = arith.muli %add3A_188, %mul3A_189 : i32
      %dma_start3A_191 = tpu.memref_slice %arg5[%mul3A_190] : memref<25600xi32, #tpu.memory_space<vmem>> -> memref<128xi32, #tpu.memory_space<vmem>>
      %dma_start3A_192 = arith.constant 0 : i32
      %dma_start3A_193 = arith.constant 0 : i32
      %dma_start3A_194 = tpu.memref_slice %arg3[%dma_start3A_192, %dma_start3A_193] : memref<1000000x64xf32, #tpu.memory_space<hbm>> -> memref<1000000x64xf32, #tpu.memory_space<hbm>>
      tpu.enqueue_indirect_dma source(%dma_start3A_194 : memref<1000000x64xf32, #tpu.memory_space<hbm>>) target(%arg8 : memref<128x64xf32, #tpu.memory_space<vmem>>) offsets(%dma_start3A_191 : memref<128xi32, #tpu.memory_space<vmem>>) semaphore(%arg12 : memref<!tpu.dma_semaphore, #tpu.memory_space<semaphore_mem>>)
      %mul3A_195 = arith.constant 4 : i32
      %mul3A_196 = arith.muli %scan3A_166, %mul3A_195 : i32
      %add3A_197 = arith.constant 1 : i32
      %add3A_198 = arith.addi %mul3A_196, %add3A_197 : i32
      %dma_wait3A_199 = arith.constant 0 : i32
      %dma_wait3A_200 = tpu.memref_slice %arg5[%dma_wait3A_199] : memref<25600xi32, #tpu.memory_space<vmem>> -> memref<128xi32, #tpu.memory_space<vmem>>
      %dma_wait3A_201 = arith.constant 0 : i32
      %dma_wait3A_202 = arith.constant 0 : i32
      %dma_wait3A_203 = tpu.memref_slice %arg3[%dma_wait3A_201, %dma_wait3A_202] : memref<1000000x64xf32, #tpu.memory_space<hbm>> -> memref<1000000x64xf32, #tpu.memory_space<hbm>>
      tpu.wait_indirect_dma semaphore(%arg11 : memref<!tpu.dma_semaphore, #tpu.memory_space<semaphore_mem>>) src(%dma_wait3A_203 : memref<1000000x64xf32, #tpu.memory_space<hbm>>) dst(%arg7 : memref<128x64xf32, #tpu.memory_space<vmem>>)
      %mul3A_204 = arith.constant 128 : i32
      %mul3A_205 = arith.muli %add3A_198, %mul3A_204 : i32
      %add3A_206 = arith.addi %mul3A_2, %mul3A_205 : i32
      %dma_start3A_207 = arith.constant 0 : i32
      %dma_start3A_208 = tpu.memref_slice %arg4[%add3A_206, %dma_start3A_207] : memref<819200x64xf32, #tpu.memory_space<hbm>> -> memref<128x64xf32, #tpu.memory_space<hbm>>
      %dma_start3A_209 = arith.constant 0 : i32
      %dma_start3A_210 = tpu.memref_slice %arg4[%add3A_206, %dma_start3A_209] : memref<819200x64xf32, #tpu.memory_space<hbm>> -> memref<128x64xf32, #tpu.memory_space<hbm>>
      tpu.enqueue_dma source(%arg7 : memref<128x64xf32, #tpu.memory_space<vmem>>) target(%dma_start3A_210 : memref<128x64xf32, #tpu.memory_space<hbm>>) target_semaphore(%arg15 : memref<!tpu.dma_semaphore, #tpu.memory_space<semaphore_mem>>)
      %dma_wait3A_211 = arith.constant 0 : i32
      %dma_wait3A_212 = tpu.memref_slice %arg4[%mul3A_2, %dma_wait3A_211] : memref<819200x64xf32, #tpu.memory_space<hbm>> -> memref<128x64xf32, #tpu.memory_space<hbm>>
      %dma_wait3A_213 = arith.constant 0 : i32
      %dma_wait3A_214 = tpu.memref_slice %arg4[%mul3A_2, %dma_wait3A_213] : memref<819200x64xf32, #tpu.memory_space<hbm>> -> memref<128x64xf32, #tpu.memory_space<hbm>>
      tpu.wait_dma2 semaphore(%arg17 : memref<!tpu.dma_semaphore, #tpu.memory_space<semaphore_mem>>) src(%arg9 : memref<128x64xf32, #tpu.memory_space<vmem>>) dst(%dma_wait3A_214 : memref<128x64xf32, #tpu.memory_space<hbm>>)
      %add3A_215 = arith.constant 2 : i32
      %add3A_216 = arith.addi %add3A_198, %add3A_215 : i32
      %mul3A_217 = arith.constant 128 : i32
      %mul3A_218 = arith.muli %add3A_216, %mul3A_217 : i32
      %dma_start3A_219 = tpu.memref_slice %arg5[%mul3A_218] : memref<25600xi32, #tpu.memory_space<vmem>> -> memref<128xi32, #tpu.memory_space<vmem>>
      %dma_start3A_220 = arith.constant 0 : i32
      %dma_start3A_221 = arith.constant 0 : i32
      %dma_start3A_222 = tpu.memref_slice %arg3[%dma_start3A_220, %dma_start3A_221] : memref<1000000x64xf32, #tpu.memory_space<hbm>> -> memref<1000000x64xf32, #tpu.memory_space<hbm>>
      tpu.enqueue_indirect_dma source(%dma_start3A_222 : memref<1000000x64xf32, #tpu.memory_space<hbm>>) target(%arg9 : memref<128x64xf32, #tpu.memory_space<vmem>>) offsets(%dma_start3A_219 : memref<128xi32, #tpu.memory_space<vmem>>) semaphore(%arg13 : memref<!tpu.dma_semaphore, #tpu.memory_space<semaphore_mem>>)
      %mul3A_223 = arith.constant 4 : i32
      %mul3A_224 = arith.muli %scan3A_166, %mul3A_223 : i32
      %add3A_225 = arith.constant 2 : i32
      %add3A_226 = arith.addi %mul3A_224, %add3A_225 : i32
      %dma_wait3A_227 = arith.constant 0 : i32
      %dma_wait3A_228 = tpu.memref_slice %arg5[%dma_wait3A_227] : memref<25600xi32, #tpu.memory_space<vmem>> -> memref<128xi32, #tpu.memory_space<vmem>>
      %dma_wait3A_229 = arith.constant 0 : i32
      %dma_wait3A_230 = arith.constant 0 : i32
      %dma_wait3A_231 = tpu.memref_slice %arg3[%dma_wait3A_229, %dma_wait3A_230] : memref<1000000x64xf32, #tpu.memory_space<hbm>> -> memref<1000000x64xf32, #tpu.memory_space<hbm>>
      tpu.wait_indirect_dma semaphore(%arg12 : memref<!tpu.dma_semaphore, #tpu.memory_space<semaphore_mem>>) src(%dma_wait3A_231 : memref<1000000x64xf32, #tpu.memory_space<hbm>>) dst(%arg8 : memref<128x64xf32, #tpu.memory_space<vmem>>)
      %mul3A_232 = arith.constant 128 : i32
      %mul3A_233 = arith.muli %add3A_226, %mul3A_232 : i32
      %add3A_234 = arith.addi %mul3A_2, %mul3A_233 : i32
      %dma_start3A_235 = arith.constant 0 : i32
      %dma_start3A_236 = tpu.memref_slice %arg4[%add3A_234, %dma_start3A_235] : memref<819200x64xf32, #tpu.memory_space<hbm>> -> memref<128x64xf32, #tpu.memory_space<hbm>>
      %dma_start3A_237 = arith.constant 0 : i32
      %dma_start3A_238 = tpu.memref_slice %arg4[%add3A_234, %dma_start3A_237] : memref<819200x64xf32, #tpu.memory_space<hbm>> -> memref<128x64xf32, #tpu.memory_space<hbm>>
      tpu.enqueue_dma source(%arg8 : memref<128x64xf32, #tpu.memory_space<vmem>>) target(%dma_start3A_238 : memref<128x64xf32, #tpu.memory_space<hbm>>) target_semaphore(%arg16 : memref<!tpu.dma_semaphore, #tpu.memory_space<semaphore_mem>>)
      %dma_wait3A_239 = arith.constant 0 : i32
      %dma_wait3A_240 = tpu.memref_slice %arg4[%mul3A_2, %dma_wait3A_239] : memref<819200x64xf32, #tpu.memory_space<hbm>> -> memref<128x64xf32, #tpu.memory_space<hbm>>
      %dma_wait3A_241 = arith.constant 0 : i32
      %dma_wait3A_242 = tpu.memref_slice %arg4[%mul3A_2, %dma_wait3A_241] : memref<819200x64xf32, #tpu.memory_space<hbm>> -> memref<128x64xf32, #tpu.memory_space<hbm>>
      tpu.wait_dma2 semaphore(%arg14 : memref<!tpu.dma_semaphore, #tpu.memory_space<semaphore_mem>>) src(%arg6 : memref<128x64xf32, #tpu.memory_space<vmem>>) dst(%dma_wait3A_242 : memref<128x64xf32, #tpu.memory_space<hbm>>)
      %add3A_243 = arith.constant 2 : i32
      %add3A_244 = arith.addi %add3A_226, %add3A_243 : i32
      %mul3A_245 = arith.constant 128 : i32
      %mul3A_246 = arith.muli %add3A_244, %mul3A_245 : i32
      %dma_start3A_247 = tpu.memref_slice %arg5[%mul3A_246] : memref<25600xi32, #tpu.memory_space<vmem>> -> memref<128xi32, #tpu.memory_space<vmem>>
      %dma_start3A_248 = arith.constant 0 : i32
      %dma_start3A_249 = arith.constant 0 : i32
      %dma_start3A_250 = tpu.memref_slice %arg3[%dma_start3A_248, %dma_start3A_249] : memref<1000000x64xf32, #tpu.memory_space<hbm>> -> memref<1000000x64xf32, #tpu.memory_space<hbm>>
      tpu.enqueue_indirect_dma source(%dma_start3A_250 : memref<1000000x64xf32, #tpu.memory_space<hbm>>) target(%arg6 : memref<128x64xf32, #tpu.memory_space<vmem>>) offsets(%dma_start3A_247 : memref<128xi32, #tpu.memory_space<vmem>>) semaphore(%arg10 : memref<!tpu.dma_semaphore, #tpu.memory_space<semaphore_mem>>)
      %mul3A_251 = arith.constant 4 : i32
      %mul3A_252 = arith.muli %scan3A_166, %mul3A_251 : i32
      %add3A_253 = arith.constant 3 : i32
      %add3A_254 = arith.addi %mul3A_252, %add3A_253 : i32
      %dma_wait3A_255 = arith.constant 0 : i32
      %dma_wait3A_256 = tpu.memref_slice %arg5[%dma_wait3A_255] : memref<25600xi32, #tpu.memory_space<vmem>> -> memref<128xi32, #tpu.memory_space<vmem>>
      %dma_wait3A_257 = arith.constant 0 : i32
      %dma_wait3A_258 = arith.constant 0 : i32
      %dma_wait3A_259 = tpu.memref_slice %arg3[%dma_wait3A_257, %dma_wait3A_258] : memref<1000000x64xf32, #tpu.memory_space<hbm>> -> memref<1000000x64xf32, #tpu.memory_space<hbm>>
      tpu.wait_indirect_dma semaphore(%arg13 : memref<!tpu.dma_semaphore, #tpu.memory_space<semaphore_mem>>) src(%dma_wait3A_259 : memref<1000000x64xf32, #tpu.memory_space<hbm>>) dst(%arg9 : memref<128x64xf32, #tpu.memory_space<vmem>>)
      %mul3A_260 = arith.constant 128 : i32
      %mul3A_261 = arith.muli %add3A_254, %mul3A_260 : i32
      %add3A_262 = arith.addi %mul3A_2, %mul3A_261 : i32
      %dma_start3A_263 = arith.constant 0 : i32
      %dma_start3A_264 = tpu.memref_slice %arg4[%add3A_262, %dma_start3A_263] : memref<819200x64xf32, #tpu.memory_space<hbm>> -> memref<128x64xf32, #tpu.memory_space<hbm>>
      %dma_start3A_265 = arith.constant 0 : i32
      %dma_start3A_266 = tpu.memref_slice %arg4[%add3A_262, %dma_start3A_265] : memref<819200x64xf32, #tpu.memory_space<hbm>> -> memref<128x64xf32, #tpu.memory_space<hbm>>
      tpu.enqueue_dma source(%arg9 : memref<128x64xf32, #tpu.memory_space<vmem>>) target(%dma_start3A_266 : memref<128x64xf32, #tpu.memory_space<hbm>>) target_semaphore(%arg17 : memref<!tpu.dma_semaphore, #tpu.memory_space<semaphore_mem>>)
      %dma_wait3A_267 = arith.constant 0 : i32
      %dma_wait3A_268 = tpu.memref_slice %arg4[%mul3A_2, %dma_wait3A_267] : memref<819200x64xf32, #tpu.memory_space<hbm>> -> memref<128x64xf32, #tpu.memory_space<hbm>>
      %dma_wait3A_269 = arith.constant 0 : i32
      %dma_wait3A_270 = tpu.memref_slice %arg4[%mul3A_2, %dma_wait3A_269] : memref<819200x64xf32, #tpu.memory_space<hbm>> -> memref<128x64xf32, #tpu.memory_space<hbm>>
      tpu.wait_dma2 semaphore(%arg15 : memref<!tpu.dma_semaphore, #tpu.memory_space<semaphore_mem>>) src(%arg7 : memref<128x64xf32, #tpu.memory_space<vmem>>) dst(%dma_wait3A_270 : memref<128x64xf32, #tpu.memory_space<hbm>>)
      %add3A_271 = arith.constant 2 : i32
      %add3A_272 = arith.addi %add3A_254, %add3A_271 : i32
      %mul3A_273 = arith.constant 128 : i32
      %mul3A_274 = arith.muli %add3A_272, %mul3A_273 : i32
      %dma_start3A_275 = tpu.memref_slice %arg5[%mul3A_274] : memref<25600xi32, #tpu.memory_space<vmem>> -> memref<128xi32, #tpu.memory_space<vmem>>
      %dma_start3A_276 = arith.constant 0 : i32
      %dma_start3A_277 = arith.constant 0 : i32
      %dma_start3A_278 = tpu.memref_slice %arg3[%dma_start3A_276, %dma_start3A_277] : memref<1000000x64xf32, #tpu.memory_space<hbm>> -> memref<1000000x64xf32, #tpu.memory_space<hbm>>
      tpu.enqueue_indirect_dma source(%dma_start3A_278 : memref<1000000x64xf32, #tpu.memory_space<hbm>>) target(%arg7 : memref<128x64xf32, #tpu.memory_space<vmem>>) offsets(%dma_start3A_275 : memref<128xi32, #tpu.memory_space<vmem>>) semaphore(%arg11 : memref<!tpu.dma_semaphore, #tpu.memory_space<semaphore_mem>>)
    }
    %scan3A_87 = arith.constant 48 : i32
    %dma_wait3A_88 = arith.constant 0 : i32
    %dma_wait3A_89 = tpu.memref_slice %arg5[%dma_wait3A_88] : memref<25600xi32, #tpu.memory_space<vmem>> -> memref<128xi32, #tpu.memory_space<vmem>>
    %dma_wait3A_90 = arith.constant 0 : i32
    %dma_wait3A_91 = arith.constant 0 : i32
    %dma_wait3A_92 = tpu.memref_slice %arg3[%dma_wait3A_90, %dma_wait3A_91] : memref<1000000x64xf32, #tpu.memory_space<hbm>> -> memref<1000000x64xf32, #tpu.memory_space<hbm>>
    tpu.wait_indirect_dma semaphore(%arg10 : memref<!tpu.dma_semaphore, #tpu.memory_space<semaphore_mem>>) src(%dma_wait3A_92 : memref<1000000x64xf32, #tpu.memory_space<hbm>>) dst(%arg6 : memref<128x64xf32, #tpu.memory_space<vmem>>)
    %add3A_93 = arith.constant 25088 : i32
    %add3A_94 = arith.addi %mul3A_2, %add3A_93 : i32
    %dma_start3A_95 = arith.constant 0 : i32
    %dma_start3A_96 = tpu.memref_slice %arg4[%add3A_94, %dma_start3A_95] : memref<819200x64xf32, #tpu.memory_space<hbm>> -> memref<128x64xf32, #tpu.memory_space<hbm>>
    %dma_start3A_97 = arith.constant 0 : i32
    %dma_start3A_98 = tpu.memref_slice %arg4[%add3A_94, %dma_start3A_97] : memref<819200x64xf32, #tpu.memory_space<hbm>> -> memref<128x64xf32, #tpu.memory_space<hbm>>
    tpu.enqueue_dma source(%arg6 : memref<128x64xf32, #tpu.memory_space<vmem>>) target(%dma_start3A_98 : memref<128x64xf32, #tpu.memory_space<hbm>>) target_semaphore(%arg14 : memref<!tpu.dma_semaphore, #tpu.memory_space<semaphore_mem>>)
    %dma_wait3A_99 = arith.constant 0 : i32
    %dma_wait3A_100 = tpu.memref_slice %arg4[%mul3A_2, %dma_wait3A_99] : memref<819200x64xf32, #tpu.memory_space<hbm>> -> memref<128x64xf32, #tpu.memory_space<hbm>>
    %dma_wait3A_101 = arith.constant 0 : i32
    %dma_wait3A_102 = tpu.memref_slice %arg4[%mul3A_2, %dma_wait3A_101] : memref<819200x64xf32, #tpu.memory_space<hbm>> -> memref<128x64xf32, #tpu.memory_space<hbm>>
    tpu.wait_dma2 semaphore(%arg16 : memref<!tpu.dma_semaphore, #tpu.memory_space<semaphore_mem>>) src(%arg8 : memref<128x64xf32, #tpu.memory_space<vmem>>) dst(%dma_wait3A_102 : memref<128x64xf32, #tpu.memory_space<hbm>>)
    %dma_start3A_103 = arith.constant 25344 : i32
    %dma_start3A_104 = tpu.memref_slice %arg5[%dma_start3A_103] : memref<25600xi32, #tpu.memory_space<vmem>> -> memref<128xi32, #tpu.memory_space<vmem>>
    %dma_start3A_105 = arith.constant 0 : i32
    %dma_start3A_106 = arith.constant 0 : i32
    %dma_start3A_107 = tpu.memref_slice %arg3[%dma_start3A_105, %dma_start3A_106] : memref<1000000x64xf32, #tpu.memory_space<hbm>> -> memref<1000000x64xf32, #tpu.memory_space<hbm>>
    tpu.enqueue_indirect_dma source(%dma_start3A_107 : memref<1000000x64xf32, #tpu.memory_space<hbm>>) target(%arg8 : memref<128x64xf32, #tpu.memory_space<vmem>>) offsets(%dma_start3A_104 : memref<128xi32, #tpu.memory_space<vmem>>) semaphore(%arg12 : memref<!tpu.dma_semaphore, #tpu.memory_space<semaphore_mem>>)
    %dma_wait3A_108 = arith.constant 0 : i32
    %dma_wait3A_109 = tpu.memref_slice %arg5[%dma_wait3A_108] : memref<25600xi32, #tpu.memory_space<vmem>> -> memref<128xi32, #tpu.memory_space<vmem>>
    %dma_wait3A_110 = arith.constant 0 : i32
    %dma_wait3A_111 = arith.constant 0 : i32
    %dma_wait3A_112 = tpu.memref_slice %arg3[%dma_wait3A_110, %dma_wait3A_111] : memref<1000000x64xf32, #tpu.memory_space<hbm>> -> memref<1000000x64xf32, #tpu.memory_space<hbm>>
    tpu.wait_indirect_dma semaphore(%arg11 : memref<!tpu.dma_semaphore, #tpu.memory_space<semaphore_mem>>) src(%dma_wait3A_112 : memref<1000000x64xf32, #tpu.memory_space<hbm>>) dst(%arg7 : memref<128x64xf32, #tpu.memory_space<vmem>>)
    %add3A_113 = arith.constant 25216 : i32
    %add3A_114 = arith.addi %mul3A_2, %add3A_113 : i32
    %dma_start3A_115 = arith.constant 0 : i32
    %dma_start3A_116 = tpu.memref_slice %arg4[%add3A_114, %dma_start3A_115] : memref<819200x64xf32, #tpu.memory_space<hbm>> -> memref<128x64xf32, #tpu.memory_space<hbm>>
    %dma_start3A_117 = arith.constant 0 : i32
    %dma_start3A_118 = tpu.memref_slice %arg4[%add3A_114, %dma_start3A_117] : memref<819200x64xf32, #tpu.memory_space<hbm>> -> memref<128x64xf32, #tpu.memory_space<hbm>>
    tpu.enqueue_dma source(%arg7 : memref<128x64xf32, #tpu.memory_space<vmem>>) target(%dma_start3A_118 : memref<128x64xf32, #tpu.memory_space<hbm>>) target_semaphore(%arg15 : memref<!tpu.dma_semaphore, #tpu.memory_space<semaphore_mem>>)
    %dma_wait3A_119 = arith.constant 0 : i32
    %dma_wait3A_120 = tpu.memref_slice %arg4[%mul3A_2, %dma_wait3A_119] : memref<819200x64xf32, #tpu.memory_space<hbm>> -> memref<128x64xf32, #tpu.memory_space<hbm>>
    %dma_wait3A_121 = arith.constant 0 : i32
    %dma_wait3A_122 = tpu.memref_slice %arg4[%mul3A_2, %dma_wait3A_121] : memref<819200x64xf32, #tpu.memory_space<hbm>> -> memref<128x64xf32, #tpu.memory_space<hbm>>
    tpu.wait_dma2 semaphore(%arg17 : memref<!tpu.dma_semaphore, #tpu.memory_space<semaphore_mem>>) src(%arg9 : memref<128x64xf32, #tpu.memory_space<vmem>>) dst(%dma_wait3A_122 : memref<128x64xf32, #tpu.memory_space<hbm>>)
    %dma_start3A_123 = arith.constant 25472 : i32
    %dma_start3A_124 = tpu.memref_slice %arg5[%dma_start3A_123] : memref<25600xi32, #tpu.memory_space<vmem>> -> memref<128xi32, #tpu.memory_space<vmem>>
    %dma_start3A_125 = arith.constant 0 : i32
    %dma_start3A_126 = arith.constant 0 : i32
    %dma_start3A_127 = tpu.memref_slice %arg3[%dma_start3A_125, %dma_start3A_126] : memref<1000000x64xf32, #tpu.memory_space<hbm>> -> memref<1000000x64xf32, #tpu.memory_space<hbm>>
    tpu.enqueue_indirect_dma source(%dma_start3A_127 : memref<1000000x64xf32, #tpu.memory_space<hbm>>) target(%arg9 : memref<128x64xf32, #tpu.memory_space<vmem>>) offsets(%dma_start3A_124 : memref<128xi32, #tpu.memory_space<vmem>>) semaphore(%arg13 : memref<!tpu.dma_semaphore, #tpu.memory_space<semaphore_mem>>)
    %dma_wait3A_128 = arith.constant 0 : i32
    %dma_wait3A_129 = tpu.memref_slice %arg5[%dma_wait3A_128] : memref<25600xi32, #tpu.memory_space<vmem>> -> memref<128xi32, #tpu.memory_space<vmem>>
    %dma_wait3A_130 = arith.constant 0 : i32
    %dma_wait3A_131 = arith.constant 0 : i32
    %dma_wait3A_132 = tpu.memref_slice %arg3[%dma_wait3A_130, %dma_wait3A_131] : memref<1000000x64xf32, #tpu.memory_space<hbm>> -> memref<1000000x64xf32, #tpu.memory_space<hbm>>
    tpu.wait_indirect_dma semaphore(%arg12 : memref<!tpu.dma_semaphore, #tpu.memory_space<semaphore_mem>>) src(%dma_wait3A_132 : memref<1000000x64xf32, #tpu.memory_space<hbm>>) dst(%arg8 : memref<128x64xf32, #tpu.memory_space<vmem>>)
    %add3A_133 = arith.constant 25344 : i32
    %add3A_134 = arith.addi %mul3A_2, %add3A_133 : i32
    %dma_start3A_135 = arith.constant 0 : i32
    %dma_start3A_136 = tpu.memref_slice %arg4[%add3A_134, %dma_start3A_135] : memref<819200x64xf32, #tpu.memory_space<hbm>> -> memref<128x64xf32, #tpu.memory_space<hbm>>
    %dma_start3A_137 = arith.constant 0 : i32
    %dma_start3A_138 = tpu.memref_slice %arg4[%add3A_134, %dma_start3A_137] : memref<819200x64xf32, #tpu.memory_space<hbm>> -> memref<128x64xf32, #tpu.memory_space<hbm>>
    tpu.enqueue_dma source(%arg8 : memref<128x64xf32, #tpu.memory_space<vmem>>) target(%dma_start3A_138 : memref<128x64xf32, #tpu.memory_space<hbm>>) target_semaphore(%arg16 : memref<!tpu.dma_semaphore, #tpu.memory_space<semaphore_mem>>)
    %dma_wait3A_139 = arith.constant 0 : i32
    %dma_wait3A_140 = tpu.memref_slice %arg5[%dma_wait3A_139] : memref<25600xi32, #tpu.memory_space<vmem>> -> memref<128xi32, #tpu.memory_space<vmem>>
    %dma_wait3A_141 = arith.constant 0 : i32
    %dma_wait3A_142 = arith.constant 0 : i32
    %dma_wait3A_143 = tpu.memref_slice %arg3[%dma_wait3A_141, %dma_wait3A_142] : memref<1000000x64xf32, #tpu.memory_space<hbm>> -> memref<1000000x64xf32, #tpu.memory_space<hbm>>
    tpu.wait_indirect_dma semaphore(%arg13 : memref<!tpu.dma_semaphore, #tpu.memory_space<semaphore_mem>>) src(%dma_wait3A_143 : memref<1000000x64xf32, #tpu.memory_space<hbm>>) dst(%arg9 : memref<128x64xf32, #tpu.memory_space<vmem>>)
    %add3A_144 = arith.constant 25472 : i32
    %add3A_145 = arith.addi %mul3A_2, %add3A_144 : i32
    %dma_start3A_146 = arith.constant 0 : i32
    %dma_start3A_147 = tpu.memref_slice %arg4[%add3A_145, %dma_start3A_146] : memref<819200x64xf32, #tpu.memory_space<hbm>> -> memref<128x64xf32, #tpu.memory_space<hbm>>
    %dma_start3A_148 = arith.constant 0 : i32
    %dma_start3A_149 = tpu.memref_slice %arg4[%add3A_145, %dma_start3A_148] : memref<819200x64xf32, #tpu.memory_space<hbm>> -> memref<128x64xf32, #tpu.memory_space<hbm>>
    tpu.enqueue_dma source(%arg9 : memref<128x64xf32, #tpu.memory_space<vmem>>) target(%dma_start3A_149 : memref<128x64xf32, #tpu.memory_space<hbm>>) target_semaphore(%arg17 : memref<!tpu.dma_semaphore, #tpu.memory_space<semaphore_mem>>)
    %dma_wait3A_150 = arith.constant 0 : i32
    %dma_wait3A_151 = tpu.memref_slice %arg4[%mul3A_2, %dma_wait3A_150] : memref<819200x64xf32, #tpu.memory_space<hbm>> -> memref<128x64xf32, #tpu.memory_space<hbm>>
    %dma_wait3A_152 = arith.constant 0 : i32
    %dma_wait3A_153 = tpu.memref_slice %arg4[%mul3A_2, %dma_wait3A_152] : memref<819200x64xf32, #tpu.memory_space<hbm>> -> memref<128x64xf32, #tpu.memory_space<hbm>>
    tpu.wait_dma2 semaphore(%arg14 : memref<!tpu.dma_semaphore, #tpu.memory_space<semaphore_mem>>) src(%arg6 : memref<128x64xf32, #tpu.memory_space<vmem>>) dst(%dma_wait3A_153 : memref<128x64xf32, #tpu.memory_space<hbm>>)
    %dma_wait3A_154 = arith.constant 0 : i32
    %dma_wait3A_155 = tpu.memref_slice %arg4[%mul3A_2, %dma_wait3A_154] : memref<819200x64xf32, #tpu.memory_space<hbm>> -> memref<128x64xf32, #tpu.memory_space<hbm>>
    %dma_wait3A_156 = arith.constant 0 : i32
    %dma_wait3A_157 = tpu.memref_slice %arg4[%mul3A_2, %dma_wait3A_156] : memref<819200x64xf32, #tpu.memory_space<hbm>> -> memref<128x64xf32, #tpu.memory_space<hbm>>
    tpu.wait_dma2 semaphore(%arg15 : memref<!tpu.dma_semaphore, #tpu.memory_space<semaphore_mem>>) src(%arg7 : memref<128x64xf32, #tpu.memory_space<vmem>>) dst(%dma_wait3A_157 : memref<128x64xf32, #tpu.memory_space<hbm>>)
    %dma_wait3A_158 = arith.constant 0 : i32
    %dma_wait3A_159 = tpu.memref_slice %arg4[%mul3A_2, %dma_wait3A_158] : memref<819200x64xf32, #tpu.memory_space<hbm>> -> memref<128x64xf32, #tpu.memory_space<hbm>>
    %dma_wait3A_160 = arith.constant 0 : i32
    %dma_wait3A_161 = tpu.memref_slice %arg4[%mul3A_2, %dma_wait3A_160] : memref<819200x64xf32, #tpu.memory_space<hbm>> -> memref<128x64xf32, #tpu.memory_space<hbm>>
    tpu.wait_dma2 semaphore(%arg16 : memref<!tpu.dma_semaphore, #tpu.memory_space<semaphore_mem>>) src(%arg8 : memref<128x64xf32, #tpu.memory_space<vmem>>) dst(%dma_wait3A_161 : memref<128x64xf32, #tpu.memory_space<hbm>>)
    %dma_wait3A_162 = arith.constant 0 : i32
    %dma_wait3A_163 = tpu.memref_slice %arg4[%mul3A_2, %dma_wait3A_162] : memref<819200x64xf32, #tpu.memory_space<hbm>> -> memref<128x64xf32, #tpu.memory_space<hbm>>
    %dma_wait3A_164 = arith.constant 0 : i32
    %dma_wait3A_165 = tpu.memref_slice %arg4[%mul3A_2, %dma_wait3A_164] : memref<819200x64xf32, #tpu.memory_space<hbm>> -> memref<128x64xf32, #tpu.memory_space<hbm>>
    tpu.wait_dma2 semaphore(%arg17 : memref<!tpu.dma_semaphore, #tpu.memory_space<semaphore_mem>>) src(%arg9 : memref<128x64xf32, #tpu.memory_space<vmem>>) dst(%dma_wait3A_165 : memref<128x64xf32, #tpu.memory_space<hbm>>)
    return
  }
}

</mosaic_0001>

<sc_bundles>
// kernel: kernel.3.cloned.1.call-start
scs
__scs_entry_jumppad:
0x0: {  	(pc) =	sbr.rel $0x88, $3  }
0x1: {  	(tag) =	ssettag $0x0;
	lr =	simm.s32 $0x1  }
0x2: {  	[smem:$0x3F9F] =	sst lr;
	_ =	strace $0xD0000000  }
0x3: {  	_ = 	snop  }
0x4: {  	_ = 	snop  }
0x5: {  	_ = 	snop  }
0x6: {  	_ = 	snop  }
0x7: {  	_ = 	snop  }
__scs_overlays_trampoline_lowered:
0x8: {  	[smem:$0x3FAE] =	sst s0  }
0x9: {  	[smem:$0x3FAF] =	sst s1  }
0xa: {  	[smem:$0x3FB0] =	sst s2  }
0xb: {  	[smem:$0x3FB1] =	sst s3  }
0xc: {  	[smem:$0x3FB2] =	sst s4  }
0xd: {  	[smem:$0x3FB3] =	sst s5  }
0xe: {  	[smem:$0x3FB4] =	sst s6  }
0xf: {  	[smem:$0x3FB5] =	sst s7  }
0x10: {  	[smem:$0x3FB6] =	sst s8  }
0x11: {  	[smem:$0x3FB7] =	sst s9;
	s0 =	simm.s32 @!p0 $0x0  }
0x12: {  	s1 =	sld [smem:$0x3F9D];
	s0 =	simm.s32 @p0 $0x1  }
0x13: {  	[smem:$0x3FB8] =	sst s0;
	s0 =	simm.s32 @!p1 $0x0  }
0x14: {  	s2 =	sld [smem:$0x3F9C];
	s0 =	simm.s32 @p1 $0x1  }
0x15: {  	[smem:$0x3FB9] =	sst s0;
	s0 =	simm.s32 @!p2 $0x0  }
0x16: {  	s3 =	sld [smem:$0x3FDB];
	s0 =	simm.s32 @p2 $0x1  }
0x17: {  	s4 =	simm.s32 $0x1BF5;
	[smem:$0x3FBB] =	sst s0  }
0x18: {  	s0 =	sld [smem:$0x3F9E];
	_ =	swait.ge [sflag:s4], $0x0  }
0x19: {  	s7 =	sld [smem:$0x3F9F]  }
0x1a: {  	s8 =	sadd.s32 $0xFFFFE003, lr  }
0x1b: {  	s9 =	sadd.s32 $0xFFFFFEF7, lr;
	s5 =	simm.s32 $0xFFFFFFFF;
	p2 =	slt.u32 s8, $0xFFFFF086  }
0x1c: {  	p1 =	slt.u32 s9, $0xF7A;
	s5 =	simm.s32 @!p2 $0x0  }
0x1d: {  	s5 =	simm.s32 @p1 $0x1;
	p0 =	seq.s32 s7, s2  }
0x1e: {  	s7 =	smul.u32 @!p0 $0xF7A, s2;
	p2 =	seq.s32 @!p0 s5, $0x0  }
0x1f: {  	s9 =	smul.u32 $0xF7A, s1;
	s8 =	simm.s32 @!p0 $0x1BF5;
	p2 =	por !p2, p0  }
0x20: {  	[sflag:s8] =	ssyncset.s32 @!p0 $0xFFFFF086;
	s6 =	sadd.s32 @!p0 s3, s7;
	s7 =	simm.s32 @!p0 $0x108  }
0x21: {  	s3 =	sadd.s32 s3, s9;
	s6 =	sadd.s32 @!p0 $0x88, s6;
	s7 =	simm.s32 @p2 $0x1082  }
0x22: {  	[simem:s7], [sflag:s8] =	dma.local @!p0 [hbm:s6], $0xF7A  }
0x23: {  	s9 =	sor.u32 $0xD0000000, s2;
	s6 =	simm.s32 $0x108;
	_ =	swait.ge @!p0 [sflag:s8], $0x0  }
0x24: {  	s3 =	sadd.s32 $0x88, s3;
	s6 =	simm.s32 @!p1 $0x1082;
	[sflag:s4] =	ssyncset.s32 $0xFFFFF086  }
0x25: {  	[simem:s6], [sflag:s4] =	dma.local [hbm:s3], $0xF7A  }
0x26: {  	[smem:$0x3F9F] =	sst s1;
	(tag) =	ssettag s2;
	_ =	strace s9  }
0x27: {  	s1 =	sld [smem:$0x3FAF]  }
0x28: {  	s2 =	sld [smem:$0x3FB0]  }
0x29: {  	s4 =	sld [smem:$0x3FB2]  }
0x2a: {  	p0 =	seq.s32 s5, $0x0;
	s5 =	sld [smem:$0x3FB3]  }
0x2b: {  	s6 =	sld [smem:$0x3FB4]  }
0x2c: {  	s7 =	sld [smem:$0x3FB5]  }
0x2d: {  	s3 =	simm.s32 $0x108;
	s8 =	sld [smem:$0x3FB6]  }
0x2e: {  	s3 =	simm.s32 @!p0 $0x1082;
	s9 =	sld [smem:$0x3FB7]  }
0x2f: {  	lr =	sadd.s32 s0, s3;
	s0 =	sld [smem:$0x3FAE]  }
0x30: {  	s3 =	sld [smem:$0x3FB1]  }
0x31: {  	[smem:$0x3FBA] =	sst s10  }
0x32: {  	s10 =	sld [smem:$0x3FB8];
	_ =	sdelay $0x3  }
0x33: {  	p0 =	seq.s32 s10, $0x1;
	s10 =	sld [smem:$0x3FBA];
	_ =	sdelay $0x3  }
0x34: {  	[smem:$0x3FBA] =	sst s10  }
0x35: {  	s10 =	sld [smem:$0x3FB9];
	_ =	sdelay $0x3  }
0x36: {  	p1 =	seq.s32 s10, $0x1;
	s10 =	sld [smem:$0x3FBA];
	_ =	sdelay $0x3  }
0x37: {  	[smem:$0x3FBA] =	sst s10  }
0x38: {  	s10 =	sld [smem:$0x3FBB]  }
0x39: {  	_ = 	snop;
	(pc) =	sbr.ind lr, $3  }
0x3a: {  	_ = 	snop  }
0x3b: {  	_ = 	snop  }
0x3c: {  	p2 =	seq.s32 s10, $0x1;
	s10 =	sld [smem:$0x3FBA]  }
0x3d: {  	_ =	shalt  }
0x3e: {  	_ =	shalt  }
0x3f: {  	_ =	shalt  }
0x40: {  	_ =	shalt  }
0x41: {  	_ =	shalt  }
0x42: {  	_ =	shalt  }
0x43: {  	_ =	shalt  }
0x44: {  	_ =	shalt  }
0x45: {  	_ =	shalt  }
0x46: {  	_ =	shalt  }
0x47: {  	_ =	shalt  }
0x48: {  	_ =	shalt  }
0x49: {  	_ =	shalt  }
0x4a: {  	_ =	shalt  }
0x4b: {  	_ =	shalt  }
0x4c: {  	_ =	shalt  }
0x4d: {  	_ =	shalt  }
0x4e: {  	_ =	shalt  }
0x4f: {  	_ =	shalt  }
0x50: {  	_ =	shalt  }
0x51: {  	_ =	shalt  }
0x52: {  	_ =	shalt  }
0x53: {  	_ =	shalt  }
0x54: {  	_ =	shalt  }
0x55: {  	_ =	shalt  }
0x56: {  	_ =	shalt  }
0x57: {  	_ =	shalt  }
0x58: {  	_ =	shalt  }
0x59: {  	_ =	shalt  }
0x5a: {  	_ =	shalt  }
0x5b: {  	_ =	shalt  }
0x5c: {  	_ =	shalt  }
0x5d: {  	_ =	shalt  }
0x5e: {  	_ =	shalt  }
0x5f: {  	_ =	shalt  }
0x60: {  	_ =	shalt  }
0x61: {  	_ =	shalt  }
0x62: {  	_ =	shalt  }
0x63: {  	_ =	shalt  }
0x64: {  	_ =	shalt  }
0x65: {  	_ =	shalt  }
0x66: {  	_ =	shalt  }
0x67: {  	_ =	shalt  }
0x68: {  	_ =	shalt  }
0x69: {  	_ =	shalt  }
0x6a: {  	_ =	shalt  }
0x6b: {  	_ =	shalt  }
0x6c: {  	_ =	shalt  }
0x6d: {  	_ =	shalt  }
0x6e: {  	_ =	shalt  }
0x6f: {  	_ =	shalt  }
0x70: {  	_ =	shalt  }
0x71: {  	_ =	shalt  }
0x72: {  	_ =	shalt  }
0x73: {  	_ =	shalt  }
0x74: {  	_ =	shalt  }
0x75: {  	_ =	shalt  }
0x76: {  	_ =	shalt  }
0x77: {  	_ =	shalt  }
0x78: {  	_ =	shalt  }
0x79: {  	_ =	shalt  }
0x7a: {  	_ =	shalt  }
0x7b: {  	_ =	shalt  }
0x7c: {  	_ =	shalt  }
0x7d: {  	_ =	shalt  }
0x7e: {  	_ =	shalt  }
0x7f: {  	_ =	shalt  }
0x80: {  	_ =	shalt  }
0x81: {  	_ =	shalt  }
0x82: {  	_ =	shalt  }
0x83: {  	_ =	shalt  }
0x84: {  	_ =	shalt  }
0x85: {  	_ =	shalt  }
0x86: {  	_ =	shalt  }
0x87: {  	_ =	shalt  }
.Lfunc_end0:
.L_simem_size_0:
called_computation.1_lowered:
.L_overlay_start_0:
0x88: {  	s2 =	sld [smem:$0x3FD9]  }
0x89: {  	s3 =	sld [smem:$0x3FFE];
	_ =	sdelay $0x1  }
0x8a: {  	s1 =	srdreg.scid  }
0x8b: {  	s0 =	sand.u32 $0x1, s1  }
0x8c: {  	s17 =	sshll.u32 s0, $0xA;
	s2 =	sadd.s32 s3, s2  }
0x8d: {  	s2 =	sadd.s32 s2, s17  }
0x8e: {  	[smem:$0x3FC6] =	sst s2  }
0x8f: {  	_ = 	snop  }
0x90: {  	s2 =	sld [smem:$0x3FD0];
	(tm) =	ssettm $0x1  }
0x91: {  	s18 =	sld [smem:$0x3FFB];
	_ =	sdelay $0x3  }
0x92: {  	_ =	strace s18  }
0x93: {  	s3 =	sld [smem:$0x3FFC];
	_ =	sdelay $0x3  }
0x94: {  	_ =	strace s3  }
0x95: {  	s3 =	sld [smem:$0x3FFD];
	_ =	sdelay $0x3  }
0x96: {  	_ =	strace s3  }
0x97: {  	_ =	strace $0x8FFFFFFF  }
0x98: {  	s19 =	sld [smem:$0x3FDB];
	_ =	sdelay $0x1  }
0x99: {  	s4 =	simm.s32 $_scs_section_size  }
0x9a: {  	s5 =	simm.s32 $_size__tile_overlayer_lowered;
	s6 =	simm.s32 $_tile_overlayer_lowered  }
0x9b: {  	s22 =	simm.s32 $0x1BFF;
	s21 =	sshll.u32 s6, $0x1;
	s3 =	sadd.s32 s4, s19  }
0x9c: {  	s7 =	simm.s32 $0x0;
	s20 =	sshll.u32 s5, $0x1;
	s5 =	sadd.s32 s21, s3  }
0x9d: {  	[timem:s7], [sflag:s22] =	dma.local [hbm:s5], s20  }
0x9e: {  	_ =	swait.ge [sflag:s22], s20  }
0x9f: {  	s4 =	ssub.s32 $0x0, s20;
	[sflag:s22] =	ssyncset.done $0x0  }
0xa0: {  	[sflag:s22] =	ssyncadd.s32 s4;
	_ =	sdelay $0x1  }
0xa1: {  	s23 =	simm.s32 $0x1B8B  }
0xa2: {  	_ =	swait.ge [sflag:s23], $0x1  }
0xa3: {  	[sflag:s23] =	ssyncset.done $0x0  }
0xa4: {  	s25 =	simm.s32 $0x1B8E;
	s24 =	sld [smem:$0x3FFE];
	[sflag:s23] =	ssyncadd.s32 $0xFFFFFFFF  }
0xa5: {  	s26 =	simm.s32 $execute0_lowered;
	[smem:$0x3FD2] =	sst s25  }
0xa6: {  	s5 =	sshll.u32 s26, $0x1;
	_ =	strace $0x80000046;
	[dreg:$0x1] =	wrdreg $0xFFFFFFFF  }
0xa7: {  	s28 =	simm.s32 $_size_execute0_lowered;
	s3 =	sadd.s32 s3, s5;
	[dreg:$0x0] =	wrdreg $0x0  }
0xa8: {  	s5 =	sshll.u32 s28, $0x1;
	[dreg:$0x2] =	wrdreg s3  }
0xa9: {  	[dreg:$0x3] =	wrdreg s5  }
0xaa: {  	[dreg:$0x4] =	wrdreg $0xC0  }
0xab: {  	_ =	task [dreg:s7], $0x5FFFF  }
0xac: {  	[dreg:$0x1] =	wrdreg $0xFFFFFFFF  }
0xad: {  	[dreg:$0x0] =	wrdreg $0x60  }
0xae: {  	[dreg:$0x2] =	wrdreg s24  }
0xaf: {  	[dreg:$0x3] =	wrdreg s2  }
0xb0: {  	[dreg:$0x4] =	wrdreg $0x9  }
0xb1: {  	_ =	task.clear_ibuf [dreg:s7], $0x5FFFF;
	_ =	strace $0x90000046  }
0xb2: {  	s29 =	simm.s32 $0x9;
	_ =	strace $0x80000048  }
0xb3: {  	_ =	swait.ge [sflag:s29], $0x1  }
0xb4: {  	[sflag:s29] =	ssyncadd.s32 $0xFFFFFFFF  }
0xb5: {  	_ =	strace $0x90000048  }
0xb6: {  	_ =	sfence  }
0xb7: {  	s30 =	sld [smem:$0x0];
	_ =	sdelay $0x2  }
0xb8: {  	s31 =	sshll.u32 s1, $0xD;
	s1 =	sshrl.u32 s1, $0x2  }
0xb9: {  	s3 =	sand.u32 $0x4000, s31;
	s1 =	sadd.s32 s1, s30  }
0xba: {  	s0 =	sor.u32 s3, s0;
	s1 =	sshll.u32 s1, $0x11  }
0xbb: {  	s0 =	sor.u32 s1, s0  }
0xbc: {  	s0 =	sadd.s32 $0x8F2B, s0  }
0xbd: {  	[sflag:s0] =	ssyncadd.remote.s32 $0x1  }
0xbe: {  	_ =	sfence.sel $0xFFFF  }
0xbf: {  	[dreg:$0x0] =	wrdreg $0xFFFFFFFF;
	(pc) =	sbr.abs _section_cstart, $3  }
0xc0: {  	[dreg:$0x1] =	wrdreg $0xFFFFFFFF  }
0xc1: {  	_ =	task.clear_ibuf [dreg:s7], $0x2FFFF;
	_ =	strace $0x9FFFFFFF  }
0xc2: {  	(tm) =	ssettm $0x7FFFFFFF  }
0xc3: {  	_ =	shalt  }
tec
execute0_lowered:
.L_overlay_start_1:
0x0: {  	(tag) =	ssettag $0x1  }
0x1: {  	s0 =	srdreg.scid  }
0x2: {  	s10 =	stileid.u32;
	s1 =	rddreg [dreg:$0x0]  }
0x3: {  	s5 =	rddreg [dreg:$0x1];
	s21 =	smul.u32 $0x320000, s10  }
0x4: {  	s18 =	simm.s32 $0x9;
	s0 =	sand.u32 $0x1, s0;
	s12 =	smul.u32 $0xC800, s10  }
0x5: {  	s19 =	simm.s32 $0x80;
	s2 =	sshll.u32 s10, $0x1;
	s23 =	smul.u32 $0x190000, s0  }
0x6: {  	s4 =	sor.u32 s0, s2;
	s7 =	ssub.s32 $0x2, s0;
	s0 =	smul.u32 $0x6400, s0  }
0x7: {  	s28 =	simm.s32 $0xC400;
	s29 =	simm.s32 $0x3;
	s3 =	smul.u32 $0x6400, s4  }
0x8: {  	s30 =	simm.s32 $0x5;
	s2 =	simm.s32 $0x0;
	s8 =	smul.u32 $0x32000, s4  }
0x9: {  	s31 =	simm.s32 $0x8;
	[smem:$0x7FF] =	sst s2;
	s9 =	smul.u32 $0x190000, s4  }
0xa: {  	s20 =	sshrl.u32 s7, $0x1;
	_ =	strace $0x80000047;
	s0 =	sadd.s32 s0, s12  }
0xb: {  	s3 =	sshrl.u32 s3, $0x3;
	s4 =	sadd.s32 s5, s8;
	s24 =	sshrl.u32 s9, $0x3  }
0xc: {  	s0 =	sshll.u32 s0, $0x3;
	s6 =	sadd.s32 s3, s1;
	s3 =	sadd.s32 $0xF42E00, s1  }
0xd: {  	s1 =	ssub.s32 s7, s20;
	s22 =	sadd.s32 $0x400, s4;
	s8 =	sadd.s32 $0x800, s4  }
0xe: {  	s25 =	sadd.s32 $0xC00, s4;
	s0 =	sadd.s32 s0, s5;
	[dreg:$0x4] =	wrdreg s22  }
0xf: {  	s20 =	simm.s32 $0x6400;
	s6 =	sadd.s32 $0xA00, s6;
	[dreg:$0x5] =	wrdreg s8  }
0x10: {  	[dreg:$0x6] =	wrdreg s25;
	s8 =	sadd.s32 s5, s24;
	s13 =	smax.u32 s1, $0x1  }
0x11: {  	s15 =	sadd.s32 $0x1400, s0;
	s16 =	sadd.s32 $0x1C00, s0;
	s17 =	sadd.s32 $0x1800, s0  }
0x12: {  	s22 =	simm.s32 $0x1;
	s24 =	simm.s32 $0xA400;
	s25 =	simm.s32 $0x2  }
0x13: {  	s1 =	simm.s32 $0x4;
	s0 =	simm.s32 $0x6;
	[dreg:$0x3] =	wrdreg s6  }
0x14: {  	s26 =	sadd.s32 $0x31000, s8;
	s10 =	sadd.s32 $0x31400, s8;
	s6 =	sadd.s32 s23, s21  }
0x15: {  	s11 =	sadd.s32 $0x31800, s8;
	s12 =	sadd.s32 $0x31C00, s8;
	s6 =	sor.u32 $0x8000, s6  }
0x16: {  	s21 =	simm.s32 $0x8400;
	s23 =	simm.s32 $0x0;
	s6 =	sshrl.u32 s6, $0x3  }
0x17: {  	[dreg:$0x7] =	wrdreg s26;
	s26 =	simm.s32 $0x7;
	s14 =	sadd.s32 s6, s5  }
.LBB2_1:
0x18: {  	s5 =	rddreg [dreg:$0x3]  }
0x19: {  	[tilespmem:s2], [sflag:$0x9] =	stream.linear.gather [hbm4b:s5+s2], $0x6400, $0x38;
	[tilespmem:$0xE400] =	vst v63  }
0x1a: {  	_ =	swait.ge [sflag:s18], $0x6400  }
0x1b: {  	[sflag:s18] =	ssyncset.done $0x0  }
0x1c: {  	[sflag:s18] =	ssyncadd.s32 $0xFFFF9C00  }
0x1d: {  	[tilespmem:s20], [sflag:$0x1] =	stream.indirect.gather [hbm4b:s3+s19], $0x40, s2, s19, $0xb8;
	[tilespmem:$0xE400] =	vst v63  }
0x1e: {  	_ = 	snop  }
0x1f: {  	[tilespmem:s21], [sflag:$0x2] =	stream.indirect.gather [hbm4b:s3+s19], $0x40, s19, s19, $0xb8;
	[tilespmem:$0xE400] =	vst v63  }
0x20: {  	_ =	swait.ge [sflag:s22], $0x2000  }
0x21: {  	[sflag:s22] =	ssyncset.done $0x0  }
0x22: {  	[sflag:s22] =	ssyncadd.s32 $0xFFFFE000  }
0x23: {  	[hbm4b:s4+s2] =	stream.linear.scatter [tilespmem:s20], [sflag:$0x5], $0x2000, $0x38;
	[tilespmem:$0xE400] =	vst v63  }
0x24: {  	s8 =	simm.s32 $0x100  }
0x25: {  	[tilespmem:s24], [sflag:$0x3] =	stream.indirect.gather [hbm4b:s3+s19], $0x40, s8, s19, $0xb8;
	[tilespmem:$0xE400] =	vst v63  }
0x26: {  	_ =	swait.ge [sflag:s25], $0x2000  }
0x27: {  	[sflag:s25] =	ssyncset.done $0x0  }
0x28: {  	s9 =	rddreg [dreg:$0x4];
	[sflag:s25] =	ssyncadd.s32 $0xFFFFE000  }
0x29: {  	[hbm4b:s9+s2] =	stream.linear.scatter [tilespmem:s21], [sflag:$0x6], $0x2000, $0x38;
	[tilespmem:$0xE400] =	vst v63  }
0x2a: {  	s6 =	simm.s32 $0x180  }
0x2b: {  	[tilespmem:s28], [sflag:$0x4] =	stream.indirect.gather [hbm4b:s3+s19], $0x40, s6, s19, $0xb8;
	[tilespmem:$0xE400] =	vst v63  }
0x2c: {  	_ =	swait.ge [sflag:s29], $0x2000  }
0x2d: {  	[sflag:s29] =	ssyncset.done $0x0  }
0x2e: {  	s7 =	rddreg [dreg:$0x5];
	[sflag:s29] =	ssyncadd.s32 $0xFFFFE000  }
0x2f: {  	[hbm4b:s7+s2] =	stream.linear.scatter [tilespmem:s24], [sflag:$0x7], $0x2000, $0x38;
	[tilespmem:$0xE400] =	vst v63  }
0x30: {  	_ =	swait.ge [sflag:s30], $0x2000  }
0x31: {  	[sflag:s30] =	ssyncset.done $0x0  }
0x32: {  	s8 =	simm.s32 $0x200;
	[sflag:s30] =	ssyncadd.s32 $0xFFFFE000  }
0x33: {  	[tilespmem:s20], [sflag:$0x1] =	stream.indirect.gather [hbm4b:s3+s19], $0x40, s8, s19, $0xb8;
	[tilespmem:$0xE400] =	vst v63  }
0x34: {  	_ =	swait.ge [sflag:s1], $0x2000  }
0x35: {  	[sflag:s1] =	ssyncset.done $0x0  }
0x36: {  	s9 =	rddreg [dreg:$0x6];
	[sflag:s1] =	ssyncadd.s32 $0xFFFFE000  }
0x37: {  	[hbm4b:s9+s2] =	stream.linear.scatter [tilespmem:s28], [sflag:$0x8], $0x2000, $0x38;
	[tilespmem:$0xE400] =	vst v63  }
0x38: {  	_ =	swait.ge [sflag:s0], $0x2000  }
0x39: {  	[sflag:s0] =	ssyncset.done $0x0  }
0x3a: {  	s6 =	simm.s32 $0x280;
	[sflag:s0] =	ssyncadd.s32 $0xFFFFE000  }
0x3b: {  	[tilespmem:s21], [sflag:$0x2] =	stream.indirect.gather [hbm4b:s3+s19], $0x40, s6, s19, $0xb8;
	[tilespmem:$0xE400] =	vst v63  }
0x3c: {  	_ =	swait.ge [sflag:s22], $0x2000  }
0x3d: {  	[sflag:s22] =	ssyncset.done $0x0  }
0x3e: {  	s7 =	sadd.s32 $0x0, s14;
	[sflag:s22] =	ssyncadd.s32 $0xFFFFE000  }
0x3f: {  	[hbm4b:s7+s2] =	stream.linear.scatter [tilespmem:s20], [sflag:$0x5], $0x2000, $0x38;
	[tilespmem:$0xE400] =	vst v63  }
0x40: {  	_ =	swait.ge [sflag:s26], $0x2000  }
0x41: {  	[sflag:s26] =	ssyncset.done $0x0  }
0x42: {  	s8 =	simm.s32 $0x300;
	[sflag:s26] =	ssyncadd.s32 $0xFFFFE000  }
0x43: {  	[tilespmem:s24], [sflag:$0x3] =	stream.indirect.gather [hbm4b:s3+s19], $0x40, s8, s19, $0xb8;
	[tilespmem:$0xE400] =	vst v63  }
0x44: {  	_ =	swait.ge [sflag:s25], $0x2000  }
0x45: {  	[sflag:s25] =	ssyncset.done $0x0  }
0x46: {  	s9 =	sadd.s32 $0x0, s15;
	[sflag:s25] =	ssyncadd.s32 $0xFFFFE000  }
0x47: {  	[hbm4b:s9+s2] =	stream.linear.scatter [tilespmem:s21], [sflag:$0x6], $0x2000, $0x38;
	[tilespmem:$0xE400] =	vst v63  }
0x48: {  	_ =	swait.ge [sflag:s31], $0x2000  }
0x49: {  	[sflag:s31] =	ssyncset.done $0x0  }
0x4a: {  	s6 =	simm.s32 $0x380;
	[sflag:s31] =	ssyncadd.s32 $0xFFFFE000  }
0x4b: {  	[tilespmem:s28], [sflag:$0x4] =	stream.indirect.gather [hbm4b:s3+s19], $0x40, s6, s19, $0xb8;
	[tilespmem:$0xE400] =	vst v63  }
0x4c: {  	_ =	swait.ge [sflag:s29], $0x2000  }
0x4d: {  	[sflag:s29] =	ssyncset.done $0x0  }
0x4e: {  	s7 =	sadd.s32 $0x0, s17;
	[sflag:s29] =	ssyncadd.s32 $0xFFFFE000  }
0x4f: {  	[hbm4b:s7+s2] =	stream.linear.scatter [tilespmem:s24], [sflag:$0x7], $0x2000, $0x38;
	[tilespmem:$0xE400] =	vst v63  }
0x50: {  	_ =	swait.ge [sflag:s30], $0x2000  }
0x51: {  	[sflag:s30] =	ssyncset.done $0x0  }
0x52: {  	s8 =	simm.s32 $0x400;
	[sflag:s30] =	ssyncadd.s32 $0xFFFFE000  }
0x53: {  	[tilespmem:s20], [sflag:$0x1] =	stream.indirect.gather [hbm4b:s3+s19], $0x40, s8, s19, $0xb8;
	[tilespmem:$0xE400] =	vst v63  }
0x54: {  	_ =	swait.ge [sflag:s1], $0x2000  }
0x55: {  	[sflag:s1] =	ssyncset.done $0x0  }
0x56: {  	s9 =	sadd.s32 $0x0, s16;
	[sflag:s1] =	ssyncadd.s32 $0xFFFFE000  }
0x57: {  	[hbm4b:s9+s2] =	stream.linear.scatter [tilespmem:s28], [sflag:$0x8], $0x2000, $0x38;
	[tilespmem:$0xE400] =	vst v63  }
0x58: {  	_ =	swait.ge [sflag:s0], $0x2000  }
0x59: {  	s5 =	simm.s32 $0x480;
	[sflag:s0] =	ssyncset.done $0x0  }
0x5a: {  	s6 =	simm.s32 $0x1000;
	s7 =	simm.s32 $0x680;
	[sflag:s0] =	ssyncadd.s32 $0xFFFFE000  }
.LBB2_2:
0x5b: {  	[tilespmem:s21], [sflag:$0x2] =	stream.indirect.gather [hbm4b:s3+s19], $0x40, s5, s19, $0xb8;
	[tilespmem:$0xE400] =	vst v63  }
0x5c: {  	s8 =	smov.u32 s6;
	s5 =	smov.u32 s7  }
0x5d: {  	p0 =	sne.s32 s6, $0x2F000;
	s6 =	sadd.s32 $0x1000, s6;
	_ =	swait.ge [sflag:s22], $0x2000  }
0x5e: {  	[sflag:s22] =	ssyncset.done $0x0  }
0x5f: {  	s9 =	sadd.s32 s8, s14;
	[sflag:s22] =	ssyncadd.s32 $0xFFFFE000  }
0x60: {  	[hbm4b:s9+s2] =	stream.linear.scatter [tilespmem:s20], [sflag:$0x5], $0x2000, $0x38;
	[tilespmem:$0xE400] =	vst v63  }
0x61: {  	_ =	swait.ge [sflag:s26], $0x2000  }
0x62: {  	[sflag:s26] =	ssyncset.done $0x0  }
0x63: {  	s9 =	sadd.s32 $0xFFFFFE80, s7;
	[sflag:s26] =	ssyncadd.s32 $0xFFFFE000  }
0x64: {  	[tilespmem:s24], [sflag:$0x3] =	stream.indirect.gather [hbm4b:s3+s19], $0x40, s9, s19, $0xb8;
	[tilespmem:$0xE400] =	vst v63  }
0x65: {  	_ =	swait.ge [sflag:s25], $0x2000  }
0x66: {  	[sflag:s25] =	ssyncset.done $0x0  }
0x67: {  	s9 =	sadd.s32 s8, s15;
	[sflag:s25] =	ssyncadd.s32 $0xFFFFE000  }
0x68: {  	[hbm4b:s9+s2] =	stream.linear.scatter [tilespmem:s21], [sflag:$0x6], $0x2000, $0x38;
	[tilespmem:$0xE400] =	vst v63  }
0x69: {  	_ =	swait.ge [sflag:s31], $0x2000  }
0x6a: {  	[sflag:s31] =	ssyncset.done $0x0  }
0x6b: {  	s9 =	sadd.s32 $0xFFFFFF00, s7;
	[sflag:s31] =	ssyncadd.s32 $0xFFFFE000  }
0x6c: {  	[tilespmem:s28], [sflag:$0x4] =	stream.indirect.gather [hbm4b:s3+s19], $0x40, s9, s19, $0xb8;
	[tilespmem:$0xE400] =	vst v63  }
0x6d: {  	_ =	swait.ge [sflag:s29], $0x2000  }
0x6e: {  	[sflag:s29] =	ssyncset.done $0x0  }
0x6f: {  	s9 =	sadd.s32 s8, s17;
	[sflag:s29] =	ssyncadd.s32 $0xFFFFE000  }
0x70: {  	[hbm4b:s9+s2] =	stream.linear.scatter [tilespmem:s24], [sflag:$0x7], $0x2000, $0x38;
	[tilespmem:$0xE400] =	vst v63  }
0x71: {  	_ =	swait.ge [sflag:s30], $0x2000  }
0x72: {  	[sflag:s30] =	ssyncset.done $0x0  }
0x73: {  	s9 =	sadd.s32 $0xFFFFFF80, s7;
	[sflag:s30] =	ssyncadd.s32 $0xFFFFE000  }
0x74: {  	[tilespmem:s20], [sflag:$0x1] =	stream.indirect.gather [hbm4b:s3+s19], $0x40, s9, s19, $0xb8;
	[tilespmem:$0xE400] =	vst v63  }
0x75: {  	_ =	swait.ge [sflag:s1], $0x2000  }
0x76: {  	[sflag:s1] =	ssyncset.done $0x0  }
.Ltmp0:
0x77: {  	s8 =	sadd.s32 s8, s16;
	[sflag:s1] =	ssyncadd.s32 $0xFFFFE000;
	(pc) =	sbr.rel @p0 .LBB2_2-.Ltmp0, $4  }
0x78: {  	[hbm4b:s8+s2] =	stream.linear.scatter [tilespmem:s28], [sflag:$0x8], $0x2000, $0x38;
	[tilespmem:$0xE400] =	vst v63  }
0x79: {  	_ =	swait.ge [sflag:s0], $0x2000  }
0x7a: {  	[sflag:s0] =	ssyncset.done $0x0  }
0x7b: {  	s7 =	sadd.s32 $0x200, s7;
	[sflag:s0] =	ssyncadd.s32 $0xFFFFE000  }
0x7c: {  	[tilespmem:s21], [sflag:$0x2] =	stream.indirect.gather [hbm4b:s3+s19], $0x40, s5, s19, $0xb8;
	[tilespmem:$0xE400] =	vst v63  }
0x7d: {  	_ =	swait.ge [sflag:s22], $0x2000  }
0x7e: {  	[sflag:s22] =	ssyncset.done $0x0  }
0x7f: {  	s7 =	rddreg [dreg:$0x7];
	[sflag:s22] =	ssyncadd.s32 $0xFFFFE000  }
0x80: {  	[hbm4b:s7+s2] =	stream.linear.scatter [tilespmem:s20], [sflag:$0x5], $0x2000, $0x38;
	[tilespmem:$0xE400] =	vst v63  }
0x81: {  	_ =	swait.ge [sflag:s26], $0x2000  }
0x82: {  	[sflag:s26] =	ssyncset.done $0x0  }
0x83: {  	s8 =	simm.s32 $0x6300;
	[sflag:s26] =	ssyncadd.s32 $0xFFFFE000  }
0x84: {  	[tilespmem:s24], [sflag:$0x3] =	stream.indirect.gather [hbm4b:s3+s19], $0x40, s8, s19, $0xb8;
	[tilespmem:$0xE400] =	vst v63  }
0x85: {  	_ =	swait.ge [sflag:s25], $0x2000  }
0x86: {  	[sflag:s25] =	ssyncset.done $0x0  }
0x87: {  	[sflag:s25] =	ssyncadd.s32 $0xFFFFE000  }
0x88: {  	[hbm4b:s10+s2] =	stream.linear.scatter [tilespmem:s21], [sflag:$0x6], $0x2000, $0x38;
	[tilespmem:$0xE400] =	vst v63  }
0x89: {  	_ =	swait.ge [sflag:s31], $0x2000  }
0x8a: {  	[sflag:s31] =	ssyncset.done $0x0  }
0x8b: {  	s9 =	simm.s32 $0x6380;
	[sflag:s31] =	ssyncadd.s32 $0xFFFFE000  }
0x8c: {  	[tilespmem:s28], [sflag:$0x4] =	stream.indirect.gather [hbm4b:s3+s19], $0x40, s9, s19, $0xb8;
	[tilespmem:$0xE400] =	vst v63  }
0x8d: {  	_ =	swait.ge [sflag:s29], $0x2000  }
0x8e: {  	[sflag:s29] =	ssyncset.done $0x0  }
0x8f: {  	[sflag:s29] =	ssyncadd.s32 $0xFFFFE000  }
0x90: {  	[hbm4b:s11+s2] =	stream.linear.scatter [tilespmem:s24], [sflag:$0x7], $0x2000, $0x38;
	[tilespmem:$0xE400] =	vst v63  }
0x91: {  	_ =	swait.ge [sflag:s1], $0x2000  }
0x92: {  	[sflag:s1] =	ssyncset.done $0x0  }
0x93: {  	[sflag:s1] =	ssyncadd.s32 $0xFFFFE000  }
0x94: {  	[hbm4b:s12+s2] =	stream.linear.scatter [tilespmem:s28], [sflag:$0x8], $0x2000, $0x38;
	[tilespmem:$0xE400] =	vst v63  }
0x95: {  	_ =	swait.ge [sflag:s30], $0x2000  }
0x96: {  	[sflag:s30] =	ssyncset.done $0x0  }
0x97: {  	[sflag:s30] =	ssyncadd.s32 $0xFFFFE000  }
0x98: {  	_ =	swait.ge [sflag:s0], $0x2000  }
0x99: {  	[sflag:s0] =	ssyncset.done $0x0  }
0x9a: {  	s23 =	sadd.s32 $0x1, s23;
	[sflag:s0] =	ssyncadd.s32 $0xFFFFE000  }
0x9b: {  	p0 =	sne.s32 s23, s13;
	_ =	swait.ge [sflag:s26], $0x2000  }
.Ltmp1:
0x9c: {  	[sflag:s26] =	ssyncset.done $0x0;
	(pc) =	sbr.rel @p0 .LBB2_1-.Ltmp1, $4  }
0x9d: {  	[sflag:s26] =	ssyncadd.s32 $0xFFFFE000  }
0x9e: {  	_ =	swait.ge [sflag:s31], $0x2000  }
0x9f: {  	[sflag:s31] =	ssyncset.done $0x0  }
0xa0: {  	[sflag:s31] =	ssyncadd.s32 $0xFFFFE000  }
0xa1: {  	_ =	sfence.sel $0x180000  }
0xa2: {  	[bflag:$0x0] =	sbarrier.arrive $0xFFFF  }
0xa3: {  	_ =	strace $0x90000047  }
0xa4: {  	s0 =	stileid.u32;
	[bflag:$0x2] =	sbarrier.arrive $0xFFFF  }
0xa5: {  	p0 =	sne.s32 s0, $0x0;
	s0 =	rddreg [dreg:$0x2]  }
0xa6: {  	s0 =	sadd.s32 @!p0 $0x100000, s0  }
0xa7: {  	[sflag:s0] =	ssyncadd.tile.s32 @!p0 $0x1;
	_ =	shalt  }
.Lfunc_end2:
_tile_overlayer_lowered:
.L_overlay_start_2:
0xa8: {  	(tag) =	ssettag $0x2  }
0xa9: {  	s0 =	rddreg [dreg:$0x0];
	s2 =	stileid.u32  }
0xaa: {  	s1 =	rddreg [dreg:$0x1];
	p0 =	sne.s32 s2, $0x0  }
0xab: {  	s3 =	rddreg [dreg:$0x2];
	[bflag:$0x3] =	sbarrier.arrive $0xFFFF;
	s2 =	simm.s32 @!p0 $0x1C09  }
0xac: {  	[timem:s3], [sflag:s2] =	dma.local @!p0 [hbm:s0], s1  }
0xad: {  	s0 =	simm.s32 @!p0 $0x9  }
0xae: {  	_ =	swait.ge @!p0 [sflag:s0], s1  }
0xaf: {  	s1 =	ssub.s32 @!p0 $0x0, s1;
	[sflag:s0] =	ssyncset.done @!p0 $0x0  }
0xb0: {  	[sflag:s0] =	ssyncadd.s32 @!p0 s1  }
0xb1: {  	[bflag:$0x3] =	sbarrier.arrive $0xFFFF  }
0xb2: {  	_ =	shalt  }

// kernel: sparse-core-data-format-call.cloned.1.call-start
scs
called_computation_lowered:
.L_overlay_start_0:
0x0: {  	s2 =	sld [smem:$0x3FD9]  }
0x1: {  	s3 =	sld [smem:$0x3FFE];
	_ =	sdelay $0x1  }
0x2: {  	s1 =	srdreg.scid  }
0x3: {  	s0 =	sand.u32 $0x1, s1  }
0x4: {  	s18 =	sshll.u32 s0, $0xA;
	s2 =	sadd.s32 s3, s2  }
0x5: {  	s2 =	sadd.s32 s2, s18  }
0x6: {  	[smem:$0x3FC6] =	sst s2  }
0x7: {  	_ = 	snop  }
0x8: {  	s2 =	sld [smem:$0x3FD0];
	(tm) =	ssettm $0x1  }
0x9: {  	s19 =	sld [smem:$0x3FFB];
	_ =	sdelay $0x3  }
0xa: {  	_ =	strace s19  }
0xb: {  	s3 =	sld [smem:$0x3FFC];
	_ =	sdelay $0x3  }
0xc: {  	_ =	strace s3  }
0xd: {  	s3 =	sld [smem:$0x3FFD];
	_ =	sdelay $0x3  }
0xe: {  	_ =	strace s3  }
0xf: {  	_ =	strace $0x8FFFFFFF  }
0x10: {  	s20 =	sld [smem:$0x3FDB];
	_ =	sdelay $0x1  }
0x11: {  	s4 =	simm.s32 $_scs_section_size  }
0x12: {  	s5 =	simm.s32 $_size__tile_overlayer_lowered;
	s6 =	simm.s32 $_tile_overlayer_lowered  }
0x13: {  	s23 =	simm.s32 $0x1BFF;
	s22 =	sshll.u32 s6, $0x1;
	s3 =	sadd.s32 s4, s20  }
0x14: {  	s7 =	simm.s32 $0x0;
	s21 =	sshll.u32 s5, $0x1;
	s5 =	sadd.s32 s22, s3  }
0x15: {  	[timem:s7], [sflag:s23] =	dma.local [hbm:s5], s21  }
0x16: {  	_ =	swait.ge [sflag:s23], s21  }
0x17: {  	s4 =	ssub.s32 $0x0, s21;
	[sflag:s23] =	ssyncset.done $0x0  }
0x18: {  	[sflag:s23] =	ssyncadd.s32 s4;
	_ =	sdelay $0x1  }
0x19: {  	s24 =	simm.s32 $0x1B8B  }
0x1a: {  	_ =	swait.ge [sflag:s24], $0x1  }
0x1b: {  	[sflag:s24] =	ssyncset.done $0x0  }
0x1c: {  	s26 =	simm.s32 $0x1B8E;
	s25 =	sld [smem:$0x3FFE];
	[sflag:s24] =	ssyncadd.s32 $0xFFFFFFFF  }
0x1d: {  	s27 =	simm.s32 $execute0_lowered;
	[smem:$0x3FD2] =	sst s26  }
0x1e: {  	s5 =	sshll.u32 s27, $0x1;
	_ =	strace $0x80000049;
	[dreg:$0x1] =	wrdreg $0xFFFFFFFF  }
0x1f: {  	s28 =	simm.s32 $_size_execute0_lowered;
	s3 =	sadd.s32 s3, s5;
	[dreg:$0x0] =	wrdreg $0x0  }
0x20: {  	s5 =	sshll.u32 s28, $0x1;
	[dreg:$0x2] =	wrdreg s3  }
0x21: {  	[dreg:$0x3] =	wrdreg s5  }
0x22: {  	[dreg:$0x4] =	wrdreg $0xC0  }
0x23: {  	_ =	task [dreg:s7], $0x5FFFF  }
0x24: {  	[dreg:$0x1] =	wrdreg $0xFFFFFFFF  }
0x25: {  	[dreg:$0x0] =	wrdreg $0x60  }
0x26: {  	[dreg:$0x2] =	wrdreg s25  }
0x27: {  	[dreg:$0x3] =	wrdreg s2  }
0x28: {  	[dreg:$0x4] =	wrdreg $0x9  }
0x29: {  	_ =	task.clear_ibuf [dreg:s7], $0x5FFFF;
	_ =	strace $0x90000049  }
0x2a: {  	s29 =	simm.s32 $0x9;
	_ =	strace $0x8000004B  }
0x2b: {  	_ =	swait.ge [sflag:s29], $0x1  }
0x2c: {  	[sflag:s29] =	ssyncadd.s32 $0xFFFFFFFF  }
0x2d: {  	_ =	strace $0x9000004B  }
0x2e: {  	_ =	sfence  }
0x2f: {  	s30 =	sld [smem:$0x0];
	_ =	sdelay $0x2  }
0x30: {  	s31 =	sshll.u32 s1, $0xD;
	s1 =	sshrl.u32 s1, $0x2  }
0x31: {  	s3 =	sand.u32 $0x4000, s31;
	s1 =	sadd.s32 s1, s30  }
0x32: {  	s0 =	sor.u32 s3, s0;
	s1 =	sshll.u32 s1, $0x11  }
0x33: {  	s0 =	sor.u32 s1, s0  }
0x34: {  	s0 =	sadd.s32 $0x8F2B, s0  }
0x35: {  	[sflag:s0] =	ssyncadd.remote.s32 $0x1  }
0x36: {  	_ =	sfence.sel $0xFFFF  }
0x37: {  	[dreg:$0x0] =	wrdreg $0xFFFFFFFF;
	(pc) =	sbr.abs _section_cstart, $3  }
0x38: {  	[dreg:$0x1] =	wrdreg $0xFFFFFFFF  }
0x39: {  	_ =	task.clear_ibuf [dreg:s7], $0x2FFFF;
	_ =	strace $0x9FFFFFFF  }
0x3a: {  	(tm) =	ssettm $0x7FFFFFFF  }
0x3b: {  	_ =	shalt  }
tec
execute0_lowered:
.L_overlay_start_1:
0x0: {  	(tag) =	ssettag $0x1  }
0x1: {  	s0 =	srdreg.scid  }
0x2: {  	s1 =	sshll.u32 s0, $0x4  }
0x3: {  	s0 =	stileid.u32;
	s1 =	sand.u32 $0x10, s1  }
0x4: {  	s7 =	rddreg [dreg:$0x0];
	s1 =	sor.u32 s0, s1  }
0x5: {  	s4 =	simm.s32 $0x1;
	s8 =	simm.s32 $0x2;
	s2 =	sshll.u32 s1, $0x7  }
0x6: {  	s13 =	simm.s32 $0x0;
	s9 =	simm.s32 $0x20000;
	s1 =	ssub.s32 $0x4000, s2  }
0x7: {  	s14 =	simm.s32 $0x0;
	s11 =	simm.s32 $0x0;
	s3 =	sand.u32 $0xF80, s1  }
0x8: {  	s12 =	simm.s32 $0x0;
	s5 =	sshrl.u32 s1, $0xC;
	p0 =	sne.s32 s3, $0x0  }
.Ltmp0:
0x9: {  	s1 =	rddreg [dreg:$0x2];
	s4 =	simm.s32 @!p0 $0x0;
	(pc) =	sbr.rel .LBB1_1-.Ltmp0, $4  }
0xa: {  	s6 =	sadd.s32 $0xA00, s7;
	s3 =	rddreg [dreg:$0x1];
	s5 =	sadd.s32 s4, s5  }
0xb: {  	_ =	strace $0x8000004A;
	s4 =	simm.s32 $0x1;
	s5 =	smul.u32 $0x19, s5  }
0xc: {  	s7 =	sadd.s32 $0x40A00, s7;
	s10 =	smov.u32 s2;
	[sflag:s4] =	ssyncpa.u1 $0x0  }
0xd: {  	p0 =	por $0x0, $0x0;
	[sflag:s8] =	ssyncpa.u1 $0x0;
	s8 =	sadd.s32 $0x1, s5  }
.LBB1_7:
0xe: {  	s15 =	sadd.s32 $0x1000, s10  }
0xf: {  	s13 =	sadd.s32 $0x2, s11;
	s17 =	smov.u32 s11;
	p2 =	sgt.s32 s15, $0x3FFF  }
0x10: {  	s17 =	smov.u32 @p2 s13  }
0x11: {  	s15 =	smov.u32 @p2 s2;
	p2 =	sgt.s32 s17, $0x31  }
0x12: {  	s17 =	simm.s32 @p2 $0x0;
	p2 =	sne.s32 s12, s8  }
.Ltmp1:
0x13: {  	p1 =	slt.u32 s12, $0x2;
	(pc) =	sbr.rel @!p2 .LBB1_8-.Ltmp1, $4  }
0x14: {  	s16 =	simm.s32 @!p1 $0x2  }
0x15: {  	s14 =	smov.u32 s11;
	p0 =	por !p0, !p0;
	_ =	swait.ge @!p1 [sflag:s16], $0x4000  }
0x16: {  	s13 =	smov.u32 s10;
	[sflag:s16] =	ssyncset.done @!p1 $0x0;
	s10 =	smov.u32 s15  }
0x17: {  	s12 =	sadd.s32 $0x1, s12;
	[sflag:s16] =	ssyncadd.s32 @!p1 $0xFFFFC000;
	s11 =	smov.u32 s17  }
.LBB1_1:
0x18: {  	p1 =	sge.u32 s12, s5  }
0x19: {  	s15 =	sxor.u32 @!p1 $0xFFFFFFFF, s12;
	s16 =	sshll.u32 @!p1 s11, $0x12  }
0x1a: {  	s17 =	sshll.u32 @!p1 s10, $0x4;
	s19 =	simm.s32 @!p1 $0x40;
	s20 =	simm.s32 @!p1 $0x80  }
0x1b: {  	s15 =	sshll.u32 @!p1 s15, $0xE;
	s17 =	sand.u32 @!p1 $0x3FFF0, s17;
	s18 =	sadd.s32 @!p1 s6, s16  }
0x1c: {  	s16 =	sadd.s32 @!p1 s16, s7;
	s15 =	sand.u32 @!p1 $0x4000, s15;
	s18 =	sadd.s32 @!p1 s17, s18  }
0x1d: {  	[tilespmem:s15], [sflag:$0x1] =	stream.strided.gather @!p1 [hbm4b:s18+s19], $0x2000, s20, s19, $0x38;
	[tilespmem:$0x10100] =	vst v63  }
0x1e: {  	s31 =	sadd.s32 $0xFFFFFFFF, s12;
	s16 =	sadd.s32 @!p1 s17, s16;
	s15 =	sor.u32 @!p1 $0x2000, s15  }
0x1f: {  	[tilespmem:s15], [sflag:$0x1] =	stream.strided.gather @!p1 [hbm4b:s16+s19], $0x2000, s20, s19, $0x38;
	[tilespmem:$0x10100] =	vst v63  }
0x20: {  	p1 =	sge.u32 s31, s5  }
.Ltmp2:
0x21: {  	_ = 	snop;
	(pc) =	sbr.rel @p1 .LBB1_7-.Ltmp2, $1  }
0x22: {  	_ =	sdelay $0x3  }
0x23: {  	s15 =	simm.s32 $0x1;
	s17 =	sand.u32 $0x1, s12  }
0x24: {  	_ =	swait.ge [sflag:s4], $0x4000;
	s15 =	simm.s32 @!p0 $0x0;
	s17 =	smul.u32 $0x10200, s17  }
0x25: {  	p2 =	por $0x1, $0x1;
	[sflag:s4] =	ssyncset.done $0x0;
	s16 =	smul.u32 $0x10200, s15  }
0x26: {  	s18 =	sshll.u32 s15, $0x10;
	[sflag:s4] =	ssyncadd.s32 $0xFFFFC000;
	s30 =	sshrl.u32 s17, $0x2  }
0x27: {  	s31 =	sshrl.u32 s18, $0x2;
	s18 =	simm.s32 $0x0;
	s16 =	sshrl.u32 s16, $0x2  }
0x28: {  	s15 =	sor.u32 $0x8000, s30;
	s17 =	sadd.s32 $0x20, s31;
	s16 =	sor.u32 $0x8000, s16  }
.LBB1_3:
0x29: {  	s19 =	sshll.u32 s18, $0xD  }
0x2a: {  	s19 =	sand.u32 $0x3FFFE000, s19  }
0x2b: {  	s21 =	sadd.s32 s19, s17  }
0x2c: {  	s31 =	smul.u32 $0x8100, s18;
	v3 =	vld [tilespmem:s21+$0x10]  }
0x2d: {  	v1 =	vld [tilespmem:s21+$0xFFFFFFF0]  }
0x2e: {  	s18 =	sshra.s32 s31, $0x2;
	v0 =	vld [tilespmem:s21+$0x0]  }
0x2f: {  	s18 =	sadd.s32 s18, s16;
	v2 =	vld [tilespmem:s21+$0xFFFFFFE0]  }
0x30: {  	s19 =	sadd.s32 $0x0, s18  }
0x31: {  	p1 =	por p2, p2;
	s20 =	simm.s32 $0x4;
	s21 =	sadd.s32 $0x40, s21;
	[tilespmem:s19+$0x1830 ss:$0x81] =	vst.msk $0xffff, v3  }
.LBB1_4:
0x32: {  	v3 =	vld [tilespmem:s21+$0x10];
	p2 =	sne.s32 s20, $0x1FC;
	[tilespmem:s19+$0x810 ss:$0x81] =	vst.msk $0xffff, v1;
	s22 =	smov.u32 s20;
	s20 =	sadd.s32 $0x4, s20  }
.Ltmp3:
0x33: {  	v1 =	vld [tilespmem:s21+$0xFFFFFFF0];
	[tilespmem:s19+$0x1020 ss:$0x81] =	vst.msk $0xffff, v0;
	(pc) =	sbr.rel @p2 .LBB1_4-.Ltmp3, $4  }
0x34: {  	v0 =	vld [tilespmem:s21+$0x0];
	[tilespmem:s19+$0x0 ss:$0x81] =	vst.msk $0xffff, v2  }
0x35: {  	s19 =	sshra.s32 s22, $0x2;
	v2 =	vld [tilespmem:s21+$0xFFFFFFE0]  }
0x36: {  	s19 =	sadd.s32 s19, s18  }
0x37: {  	s21 =	sadd.s32 $0x40, s21;
	[tilespmem:s19+$0x1830 ss:$0x81] =	vst.msk $0xffff, v3  }
.Ltmp4:
0x38: {  	(pc) =	sbr.rel @p1 .LBB1_3-.Ltmp4, $4  }
0x39: {  	_ = 	snop  }
0x3a: {  	[tilespmem:s19+$0x810 ss:$0x81] =	vst.msk $0xffff, v1  }
0x3b: {  	[tilespmem:s19+$0x1020 ss:$0x81] =	vst.msk $0xffff, v0  }
0x3c: {  	s18 =	simm.s32 $0x1;
	p2 =	por $0x0, $0x0;
	[tilespmem:s19+$0x0 ss:$0x81] =	vst.msk $0xffff, v2  }
0x3d: {  	s16 =	sshll.u32 s13, $0x3;
	s17 =	sand.u32 $0x78, s13;
	s14 =	sshll.u32 s14, $0x11  }
.Ltmp5:
0x3e: {  	s30 =	sand.u32 $0x1F800, s13;
	s16 =	sand.u32 $0x3C00, s16;
	(pc) =	sbr.rel .LBB1_7-.Ltmp5, $4  }
0x3f: {  	s31 =	sand.u32 $0x7, s13;
	s14 =	sadd.s32 s3, s14;
	s16 =	sor.u32 s17, s16  }
0x40: {  	s13 =	sshll.u32 s31, $0x12;
	s14 =	sadd.s32 s30, s14;
	s16 =	sshrl.u32 s16, $0x3  }
0x41: {  	s13 =	sor.u32 $0x400, s13;
	s14 =	sadd.s32 s16, s14  }
0x42: {  	[hbm4b:s14+s13] =	stream.strided.scatter [tilespmem:s15], [sflag:$0x2], $0x4000, s9, s13, $0x20;
	[tilespmem:$0x10100] =	vst v63  }
.LBB1_8:
0x43: {  	_ =	sfence.sel $0x180000  }
0x44: {  	s2 =	simm.s32 $0x1;
	[bflag:$0x0] =	sbarrier.arrive $0xFFFF  }
0x45: {  	s31 =	simm.s32 $0x2;
	[sflag:s2] =	ssyncpa.u1 $0x1  }
0x46: {  	[sflag:s31] =	ssyncpa.u1 $0x1  }
0x47: {  	p0 =	sne.s32 s0, $0x0;
	_ =	strace $0x9000004A  }
0x48: {  	s0 =	sadd.s32 @!p0 $0x100000, s1;
	[bflag:$0x2] =	sbarrier.arrive $0xFFFF  }
0x49: {  	[sflag:s0] =	ssyncadd.tile.s32 @!p0 $0x1;
	_ =	shalt  }
.Lfunc_end1:
_tile_overlayer_lowered:
.L_overlay_start_2:
0x4a: {  	(tag) =	ssettag $0x2  }
0x4b: {  	s0 =	rddreg [dreg:$0x0];
	s2 =	stileid.u32  }
0x4c: {  	s1 =	rddreg [dreg:$0x1];
	p0 =	sne.s32 s2, $0x0  }
0x4d: {  	s3 =	rddreg [dreg:$0x2];
	[bflag:$0x3] =	sbarrier.arrive $0xFFFF;
	s2 =	simm.s32 @!p0 $0x1C01  }
0x4e: {  	[timem:s3], [sflag:s2] =	dma.local @!p0 [hbm:s0], s1  }
0x4f: {  	s0 =	simm.s32 @!p0 $0x1  }
0x50: {  	_ =	swait.ge @!p0 [sflag:s0], s1  }
0x51: {  	s1 =	ssub.s32 @!p0 $0x0, s1;
	[sflag:s0] =	ssyncset.done @!p0 $0x0  }
0x52: {  	[sflag:s0] =	ssyncadd.s32 @!p0 s1  }
0x53: {  	[bflag:$0x3] =	sbarrier.arrive $0xFFFF  }
0x54: {  	_ =	shalt  }

</sc_bundles>
